<compile_context>
chip_gen: v7x
topology: tpu7x:2x2x1
jax: 0.10.2.dev20260603
libtpu: 0.0.44.dev20260713+nightly
codegen_flags: <defaults>
</compile_context>

<pallas_src>
import functools

import jax
import jax.numpy as jnp
from jax import lax
from jax.experimental import pallas as pl
from jax.experimental.pallas import tpu as pltpu
from jax.experimental.pallas import tpu_sc as plsc

N = 1024
E = 16384
NC = 2
NS = 16
L = 16
NW = NC * NS
EPW = E // NW
G = EPW // L
F = 4 * N

TILE_E = 512
K_STEPS = E // TILE_E


def _edge_partials_sc(t, src, dst, a_flat, b_flat, w2s_flat):
    mesh = plsc.VectorSubcoreMesh(core_axis_name="c", subcore_axis_name="s",
                                  num_cores=NC, num_subcores=NS)

    @functools.partial(
        pl.kernel,
        out_type=jax.ShapeDtypeStruct((NW * F,), jnp.float32),
        mesh=mesh,
        compiler_params=pltpu.CompilerParams(needs_layout_passes=False),
        scratch_types=[
            pltpu.VMEM((N,), jnp.int32),
            pltpu.VMEM((EPW,), jnp.int32),
            pltpu.VMEM((EPW,), jnp.int32),
            pltpu.VMEM((N * L,), jnp.float32),
            pltpu.VMEM((N * L,), jnp.float32),
            pltpu.VMEM((48 * L,), jnp.float32),
            pltpu.VMEM((L * F,), jnp.float32),
            pltpu.VMEM((F,), jnp.float32),
            pltpu.SemaphoreType.DMA,
        ],
    )
    def sc_kernel(t_hbm, src_hbm, dst_hbm, a_hbm, b_hbm, w2_hbm, out_hbm,
                  t_v, src_v, dst_v, a_v, b_v, w2_v, acc_v, red_v, sem):
        wid = lax.axis_index("s") * NC + lax.axis_index("c")
        base = wid * EPW
        copies = [
            pltpu.async_copy(t_hbm, t_v, sem),
            pltpu.async_copy(src_hbm.at[pl.ds(base, EPW)], src_v, sem),
            pltpu.async_copy(dst_hbm.at[pl.ds(base, EPW)], dst_v, sem),
            pltpu.async_copy(a_hbm, a_v, sem),
            pltpu.async_copy(b_hbm, b_v, sem),
            pltpu.async_copy(w2_hbm, w2_v, sem),
        ]

        zero = jnp.zeros((L,), jnp.float32)

        def zbody(j, carry):
            for r in range(L):
                acc_v[pl.ds(j * (L * L) + r * L, L)] = zero
            return carry

        lax.fori_loop(0, (L * F) // (L * L), zbody, 0)
        for c in copies:
            c.wait()

        lanes = lax.iota(jnp.int32, L)
        lane_off = lanes * F
        lane_idx = lanes * G

        def bf16_round(x):
            bits = plsc.bitcast(x, jnp.int32)
            rounded = (bits + 0x7FFF + ((bits >> 16) & 1)) & ~0xFFFF
            return plsc.bitcast(rounded, jnp.float32)

        def tree_sum(ps):
            while len(ps) > 1:
                nxt = [ps[i] + ps[i + 1] for i in range(0, len(ps) - 1, 2)]
                if len(ps) % 2:
                    nxt.append(ps[-1])
                ps = nxt
            return ps[0]

        def gstep(g):
            ev = lane_idx + g
            srcv = plsc.load_gather(src_v, [ev])
            dstv = plsc.load_gather(dst_v, [ev])
            tdv = plsc.load_gather(t_v, [dstv]) * L
            tsv = plsc.load_gather(t_v, [srcv]) * L
            h = []
            for j in range(10):
                aj = plsc.load_gather(a_v, [tdv + j])
                bj = plsc.load_gather(b_v, [tsv + j])
                h.append(bf16_round(jnp.maximum(aj + bj, 0.0)))
            logit = []
            for c in range(4):
                w2c = [w2_v[pl.ds((j * 4 + c) * L, L)] for j in range(10)]
                prods = [h[j] * w2c[j] for j in range(10)]
                logit.append(tree_sum(prods) + w2_v[pl.ds((40 + c) * L, L)])
            m = jnp.maximum(jnp.maximum(logit[0], logit[1]),
                            jnp.maximum(logit[2], logit[3]))
            ex = [jnp.exp(x - m) for x in logit]
            inv = 1.0 / ((ex[0] + ex[1]) + (ex[2] + ex[3]))
            d4 = lane_off + dstv * 4
            for c in range(4):
                plsc.addupdate_scatter(acc_v, [d4 + c], ex[c] * inv)

        def gbody(i, carry):
            gstep(i * 2)
            gstep(i * 2 + 1)
            return carry

        lax.fori_loop(0, G // 2, gbody, 0)

        def rbody(j, carry):
            v = acc_v[pl.ds(j * L, L)]
            for r in range(1, L):
                v = v + acc_v[pl.ds(r * F + j * L, L)]
            red_v[pl.ds(j * L, L)] = v
            return carry

        lax.fori_loop(0, F // L, rbody, 0)
        pltpu.sync_copy(red_v, out_hbm.at[pl.ds(wid * F, F)])

    return sc_kernel(t, src, dst, a_flat, b_flat, w2s_flat)


def _heads_tc(partials, wp, bp2, wv1, bv1, wv2, bv2, wv3, bv3, wv4, bv4):

    def body(part_ref, wp_ref, bp_ref, wv1_ref, bv1_ref, wv2_ref, bv2_ref,
             wv3_ref, bv3_ref, wv4_ref, bv4_ref, pol_ref, val_ref, flat_s):
        k = pl.program_id(0)

        bf = jnp.bfloat16

        @pl.when(k == 0)
        def _():
            parts = part_ref[...]
            flat = parts[0:1, :]
            for w in range(1, NW):
                flat = flat + parts[w:w + 1, :]
            flat_s[...] = flat.astype(bf)
            v = jnp.maximum(jnp.dot(flat.astype(bf), wv1_ref[...].astype(bf),
                                    preferred_element_type=jnp.float32)
                            + bv1_ref[...], 0.0)
            v = jnp.maximum(jnp.dot(v.astype(bf), wv2_ref[...].astype(bf),
                                    preferred_element_type=jnp.float32)
                            + bv2_ref[...], 0.0)
            v = jnp.maximum(jnp.dot(v.astype(bf), wv3_ref[...].astype(bf),
                                    preferred_element_type=jnp.float32)
                            + bv3_ref[...], 0.0)
            prods = v * wv4_ref[...]
            ps = [prods[:, i:i + 1] for i in range(16)]
            while len(ps) > 1:
                ps = [ps[i] + ps[i + 1] for i in range(0, len(ps) - 1, 2)] \
                    + ([ps[-1]] if len(ps) % 2 else [])
            val_ref[...] = ps[0] + bv4_ref[...]

        logits = jnp.dot(flat_s[...], wp_ref[...].astype(bf),
                         preferred_element_type=jnp.float32) + bp_ref[...]
        pol_ref[:, pl.ds(k * TILE_E, TILE_E)] = logits

        @pl.when(k == K_STEPS - 1)
        def _():
            full = pol_ref[...]
            m = jnp.max(full)
            ex = jnp.exp(full - m)
            pol_ref[...] = ex / jnp.sum(ex)

    policy, value = pl.pallas_call(
        body,
        grid=(K_STEPS,),
        in_specs=[
            pl.BlockSpec((NW, F), lambda k: (0, 0)),
            pl.BlockSpec((F, TILE_E), lambda k: (0, k)),
            pl.BlockSpec((1, TILE_E), lambda k: (0, k)),
            pl.BlockSpec((F, 64), lambda k: (0, 0)),
            pl.BlockSpec((1, 64), lambda k: (0, 0)),
            pl.BlockSpec((64, 32), lambda k: (0, 0)),
            pl.BlockSpec((1, 32), lambda k: (0, 0)),
            pl.BlockSpec((32, 16), lambda k: (0, 0)),
            pl.BlockSpec((1, 16), lambda k: (0, 0)),
            pl.BlockSpec((1, 16), lambda k: (0, 0)),
            pl.BlockSpec((1, 1), lambda k: (0, 0)),
        ],
        out_specs=[
            pl.BlockSpec((1, E), lambda k: (0, 0)),
            pl.BlockSpec((1, 1), lambda k: (0, 0)),
        ],
        out_shape=[
            jax.ShapeDtypeStruct((1, E), jnp.float32),
            jax.ShapeDtypeStruct((1, 1), jnp.float32),
        ],
        scratch_shapes=[pltpu.VMEM((1, F), jnp.bfloat16)],
    )(partials, wp, bp2, wv1, bv1, wv2, bv2, wv3, bv3, wv4, bv4)
    return policy, value


def kernel(target_nodes, edge_index, W1, b1, W2, b2, Wp, bp,
           Wv1, bv1, Wv2, bv2, Wv3, bv3, Wv4, bv4):
    t = target_nodes.astype(jnp.int32)
    src = edge_index[0].astype(jnp.int32)
    dst = edge_index[1].astype(jnp.int32)

    bf = jnp.bfloat16
    w1a = W1[:N].astype(bf).astype(jnp.float32)
    w1b = W1[N:].astype(bf).astype(jnp.float32)
    a_flat = jnp.pad((w1a - w1b) + b1[None, :],
                     ((0, 0), (0, L - 10))).reshape(N * L)
    b_flat = jnp.pad(w1b, ((0, 0), (0, L - 10))).reshape(N * L)
    w2r = W2.astype(bf).astype(jnp.float32)
    w2s_flat = (jnp.concatenate(
        [w2r.reshape(40, 1), b2.reshape(4, 1), jnp.zeros((4, 1), jnp.float32)]
    ) * jnp.ones((1, L), jnp.float32)).reshape(48 * L)

    partials = _edge_partials_sc(t, src, dst, a_flat, b_flat, w2s_flat)

    policy, value = _heads_tc(
        partials.reshape(NW, F), Wp, bp.reshape(1, E),
        Wv1, bv1.reshape(1, 64), Wv2, bv2.reshape(1, 32),
        Wv3, bv3.reshape(1, 16), Wv4.reshape(1, 16), bv4.reshape(1, 1))
    return policy.reshape(E), value.reshape(1)

# --- scband reference (transcript-rebuilt; emitter-appended) ---
"""Pipeline reference for scband-graph-dual-model-54193897341273 (READ-ONLY COPY).

The authoritative reference and input builder live on the scoring server;
editing this copy changes nothing except your own understanding.
"""

import jax, jax.numpy as jnp
import numpy as np

N = 1024
E = 16384


def setup_inputs(seed: int = 0) -> dict:
    key = jax.random.key(seed)
    ks = jax.random.split(key, 12)
    target_nodes = jax.random.randint(ks[0], (N,), 0, N)
    edge_index = jax.random.randint(ks[1], (2, E), 0, N)

    def w(k, shape):
        return jax.random.normal(k, shape, dtype=jnp.float32) * 0.02

    return {
        "target_nodes": target_nodes,
        "edge_index": edge_index,
        "W1": w(ks[2], (2 * N, 10)), "b1": jnp.zeros((10,), jnp.float32),
        "W2": w(ks[3], (10, 4)), "b2": jnp.zeros((4,), jnp.float32),
        "Wp": w(ks[4], (4 * N, E)), "bp": jnp.zeros((E,), jnp.float32),
        "Wv1": w(ks[5], (4 * N, 64)), "bv1": jnp.zeros((64,), jnp.float32),
        "Wv2": w(ks[6], (64, 32)), "bv2": jnp.zeros((32,), jnp.float32),
        "Wv3": w(ks[7], (32, 16)), "bv3": jnp.zeros((16,), jnp.float32),
        "Wv4": w(ks[8], (16, 1)), "bv4": jnp.zeros((1,), jnp.float32),
    }


def reference(target_nodes, edge_index, W1, b1, W2, b2, Wp, bp,
              Wv1, bv1, Wv2, bv2, Wv3, bv3, Wv4, bv4):
    # get_representation: one-hot interaction map, rows with target == -1 stay zero
    valid = (target_nodes >= 0)
    rows = jnp.arange(N)
    cols = jnp.clip(target_nodes, 0, N - 1)
    x = jnp.zeros((N, N), dtype=jnp.float32)
    x = x.at[rows, cols].add(jnp.where(valid, 1.0, 0.0))

    # EdgeConv(aggr='add', nn=MLP(2N->10->4, softmax))
    src = edge_index[0]
    dst = edge_index[1]
    x_i = jnp.take(x, dst, axis=0)
    x_j = jnp.take(x, src, axis=0)
    feat = jnp.concatenate([x_i, x_j - x_i], axis=-1)  # [E, 2N]
    h = jax.nn.relu(feat @ W1 + b1)
    msg = jax.nn.softmax(h @ W2 + b2, axis=-1)  # [E, 4]
    agg = jax.ops.segment_sum(msg, dst, num_segments=N)  # [N, 4]

    flat = agg.reshape(-1)  # [4N]

    policy = jax.nn.softmax(flat @ Wp + bp, axis=-1)  # [E] (one logit per device edge)

    v = jax.nn.relu(flat @ Wv1 + bv1)
    v = jax.nn.relu(v @ Wv2 + bv2)
    v = jax.nn.relu(v @ Wv3 + bv3)
    value = v @ Wv4 + bv4  # [1]

    return (policy, value)

if __name__ == "__main__":
    import jax
    _d = setup_inputs()
    print(jax.jit(kernel)(*tuple(_d.values())))

</pallas_src>

<mosaic_0001>
#map = affine_map<(d0, d1) -> (0)>
module attributes {stable_mosaic.version = 14 : i64} {
  func.func @sc_kernel(%arg0: i32, %arg1: i32, %arg2: memref<1024xi32, #tpu.memory_space<hbm>>, %arg3: memref<16384xi32, #tpu.memory_space<hbm>>, %arg4: memref<16384xi32, #tpu.memory_space<hbm>>, %arg5: memref<16384xf32, #tpu.memory_space<hbm>>, %arg6: memref<16384xf32, #tpu.memory_space<hbm>>, %arg7: memref<768xf32, #tpu.memory_space<hbm>>, %arg8: memref<131072xf32, #tpu.memory_space<hbm>>, %arg9: memref<1024xi32, #tpu.memory_space<vmem>>, %arg10: memref<512xi32, #tpu.memory_space<vmem>>, %arg11: memref<512xi32, #tpu.memory_space<vmem>>, %arg12: memref<16384xf32, #tpu.memory_space<vmem>>, %arg13: memref<16384xf32, #tpu.memory_space<vmem>>, %arg14: memref<768xf32, #tpu.memory_space<vmem>>, %arg15: memref<65536xf32, #tpu.memory_space<vmem>>, %arg16: memref<4096xf32, #tpu.memory_space<vmem>>, %arg17: memref<!tpu.dma_semaphore, #tpu.memory_space<semaphore_mem>>) attributes {dimension_semantics = [#tpu.dimension_semantics<core_parallel>, #tpu.dimension_semantics<subcore_parallel>], iteration_bounds = array<i64: 2, 16>, scalar_prefetch = 0 : i64, scratch_operands = 9 : i64, tpu.core_type = #tpu.core_type<sc_vector_subcore>, window_params = [{transform_indices = #map}, {transform_indices = #map}, {transform_indices = #map}, {transform_indices = #map}, {transform_indices = #map}, {transform_indices = #map}, {transform_indices = #map}]} {
    %mul3A = arith.constant 2 : i32
    %mul3A_0 = arith.muli %arg1, %mul3A : i32
    %add3A = arith.addi %mul3A_0, %arg0 : i32
    %mul3A_1 = arith.constant 512 : i32
    %mul3A_2 = arith.muli %add3A, %mul3A_1 : i32
    tpu.enqueue_dma source(%arg2 : memref<1024xi32, #tpu.memory_space<hbm>>) target(%arg9 : memref<1024xi32, #tpu.memory_space<vmem>>) target_semaphore(%arg17 : memref<!tpu.dma_semaphore, #tpu.memory_space<semaphore_mem>>)
    %dma_start3A = tpu.memref_slice %arg3[%mul3A_2] : memref<16384xi32, #tpu.memory_space<hbm>> -> memref<512xi32, #tpu.memory_space<hbm>>
    %dma_start3A_3 = tpu.memref_slice %arg3[%mul3A_2] : memref<16384xi32, #tpu.memory_space<hbm>> -> memref<512xi32, #tpu.memory_space<hbm>>
    tpu.enqueue_dma source(%dma_start3A_3 : memref<512xi32, #tpu.memory_space<hbm>>) target(%arg10 : memref<512xi32, #tpu.memory_space<vmem>>) target_semaphore(%arg17 : memref<!tpu.dma_semaphore, #tpu.memory_space<semaphore_mem>>)
    %dma_start3A_4 = tpu.memref_slice %arg4[%mul3A_2] : memref<16384xi32, #tpu.memory_space<hbm>> -> memref<512xi32, #tpu.memory_space<hbm>>
    %dma_start3A_5 = tpu.memref_slice %arg4[%mul3A_2] : memref<16384xi32, #tpu.memory_space<hbm>> -> memref<512xi32, #tpu.memory_space<hbm>>
    tpu.enqueue_dma source(%dma_start3A_5 : memref<512xi32, #tpu.memory_space<hbm>>) target(%arg11 : memref<512xi32, #tpu.memory_space<vmem>>) target_semaphore(%arg17 : memref<!tpu.dma_semaphore, #tpu.memory_space<semaphore_mem>>)
    tpu.enqueue_dma source(%arg5 : memref<16384xf32, #tpu.memory_space<hbm>>) target(%arg12 : memref<16384xf32, #tpu.memory_space<vmem>>) target_semaphore(%arg17 : memref<!tpu.dma_semaphore, #tpu.memory_space<semaphore_mem>>)
    tpu.enqueue_dma source(%arg6 : memref<16384xf32, #tpu.memory_space<hbm>>) target(%arg13 : memref<16384xf32, #tpu.memory_space<vmem>>) target_semaphore(%arg17 : memref<!tpu.dma_semaphore, #tpu.memory_space<semaphore_mem>>)
    tpu.enqueue_dma source(%arg7 : memref<768xf32, #tpu.memory_space<hbm>>) target(%arg14 : memref<768xf32, #tpu.memory_space<vmem>>) target_semaphore(%arg17 : memref<!tpu.dma_semaphore, #tpu.memory_space<semaphore_mem>>)
    %broadcast_in_dim3A = arith.constant 0.000000e+00 : f32
    %broadcast_in_dim3A_6 = vector.broadcast %broadcast_in_dim3A : f32 to vector<16xf32>
    %scan3A = arith.constant 0 : i32
    %scan3A_7 = arith.constant 0 : i32
    %scan3A_8 = arith.constant 256 : i32
    %scan3A_9 = arith.addi %scan3A_7, %scan3A_8 : i32
    %scan3A_10 = arith.constant 1 : i32
    scf.for %scan3A_35 = %scan3A_7 to %scan3A_9 step %scan3A_10  : i32 {
      %mul3A_36 = arith.constant 256 : i32
      %mul3A_37 = arith.muli %scan3A_35, %mul3A_36 : i32
      %add3A_38 = arith.constant 0 : i32
      %add3A_39 = arith.addi %mul3A_37, %add3A_38 : i32
      %swap3A = arith.index_cast %add3A_39 : i32 to index
      %swap3A_40 = tpu.vector_load %arg15[%swap3A] {strides = array<i32>} : memref<65536xf32, #tpu.memory_space<vmem>>, vector<16xf32>,
      tpu.vector_store %arg15[%swap3A], %broadcast_in_dim3A_6 {strides = array<i32>} : memref<65536xf32, #tpu.memory_space<vmem>>, vector<16xf32>,
      %mul3A_41 = arith.constant 256 : i32
      %mul3A_42 = arith.muli %scan3A_35, %mul3A_41 : i32
      %add3A_43 = arith.constant 16 : i32
      %add3A_44 = arith.addi %mul3A_42, %add3A_43 : i32
      %swap3A_45 = arith.index_cast %add3A_44 : i32 to index
      %swap3A_46 = tpu.vector_load %arg15[%swap3A_45] {strides = array<i32>} : memref<65536xf32, #tpu.memory_space<vmem>>, vector<16xf32>,
      tpu.vector_store %arg15[%swap3A_45], %broadcast_in_dim3A_6 {strides = array<i32>} : memref<65536xf32, #tpu.memory_space<vmem>>, vector<16xf32>,
      %mul3A_47 = arith.constant 256 : i32
      %mul3A_48 = arith.muli %scan3A_35, %mul3A_47 : i32
      %add3A_49 = arith.constant 32 : i32
      %add3A_50 = arith.addi %mul3A_48, %add3A_49 : i32
      %swap3A_51 = arith.index_cast %add3A_50 : i32 to index
      %swap3A_52 = tpu.vector_load %arg15[%swap3A_51] {strides = array<i32>} : memref<65536xf32, #tpu.memory_space<vmem>>, vector<16xf32>,
      tpu.vector_store %arg15[%swap3A_51], %broadcast_in_dim3A_6 {strides = array<i32>} : memref<65536xf32, #tpu.memory_space<vmem>>, vector<16xf32>,
      %mul3A_53 = arith.constant 256 : i32
      %mul3A_54 = arith.muli %scan3A_35, %mul3A_53 : i32
      %add3A_55 = arith.constant 48 : i32
      %add3A_56 = arith.addi %mul3A_54, %add3A_55 : i32
      %swap3A_57 = arith.index_cast %add3A_56 : i32 to index
      %swap3A_58 = tpu.vector_load %arg15[%swap3A_57] {strides = array<i32>} : memref<65536xf32, #tpu.memory_space<vmem>>, vector<16xf32>,
      tpu.vector_store %arg15[%swap3A_57], %broadcast_in_dim3A_6 {strides = array<i32>} : memref<65536xf32, #tpu.memory_space<vmem>>, vector<16xf32>,
      %mul3A_59 = arith.constant 256 : i32
      %mul3A_60 = arith.muli %scan3A_35, %mul3A_59 : i32
      %add3A_61 = arith.constant 64 : i32
      %add3A_62 = arith.addi %mul3A_60, %add3A_61 : i32
      %swap3A_63 = arith.index_cast %add3A_62 : i32 to index
      %swap3A_64 = tpu.vector_load %arg15[%swap3A_63] {strides = array<i32>} : memref<65536xf32, #tpu.memory_space<vmem>>, vector<16xf32>,
      tpu.vector_store %arg15[%swap3A_63], %broadcast_in_dim3A_6 {strides = array<i32>} : memref<65536xf32, #tpu.memory_space<vmem>>, vector<16xf32>,
      %mul3A_65 = arith.constant 256 : i32
      %mul3A_66 = arith.muli %scan3A_35, %mul3A_65 : i32
      %add3A_67 = arith.constant 80 : i32
      %add3A_68 = arith.addi %mul3A_66, %add3A_67 : i32
      %swap3A_69 = arith.index_cast %add3A_68 : i32 to index
      %swap3A_70 = tpu.vector_load %arg15[%swap3A_69] {strides = array<i32>} : memref<65536xf32, #tpu.memory_space<vmem>>, vector<16xf32>,
      tpu.vector_store %arg15[%swap3A_69], %broadcast_in_dim3A_6 {strides = array<i32>} : memref<65536xf32, #tpu.memory_space<vmem>>, vector<16xf32>,
      %mul3A_71 = arith.constant 256 : i32
      %mul3A_72 = arith.muli %scan3A_35, %mul3A_71 : i32
      %add3A_73 = arith.constant 96 : i32
      %add3A_74 = arith.addi %mul3A_72, %add3A_73 : i32
      %swap3A_75 = arith.index_cast %add3A_74 : i32 to index
      %swap3A_76 = tpu.vector_load %arg15[%swap3A_75] {strides = array<i32>} : memref<65536xf32, #tpu.memory_space<vmem>>, vector<16xf32>,
      tpu.vector_store %arg15[%swap3A_75], %broadcast_in_dim3A_6 {strides = array<i32>} : memref<65536xf32, #tpu.memory_space<vmem>>, vector<16xf32>,
      %mul3A_77 = arith.constant 256 : i32
      %mul3A_78 = arith.muli %scan3A_35, %mul3A_77 : i32
      %add3A_79 = arith.constant 112 : i32
      %add3A_80 = arith.addi %mul3A_78, %add3A_79 : i32
      %swap3A_81 = arith.index_cast %add3A_80 : i32 to index
      %swap3A_82 = tpu.vector_load %arg15[%swap3A_81] {strides = array<i32>} : memref<65536xf32, #tpu.memory_space<vmem>>, vector<16xf32>,
      tpu.vector_store %arg15[%swap3A_81], %broadcast_in_dim3A_6 {strides = array<i32>} : memref<65536xf32, #tpu.memory_space<vmem>>, vector<16xf32>,
      %mul3A_83 = arith.constant 256 : i32
      %mul3A_84 = arith.muli %scan3A_35, %mul3A_83 : i32
      %add3A_85 = arith.constant 128 : i32
      %add3A_86 = arith.addi %mul3A_84, %add3A_85 : i32
      %swap3A_87 = arith.index_cast %add3A_86 : i32 to index
      %swap3A_88 = tpu.vector_load %arg15[%swap3A_87] {strides = array<i32>} : memref<65536xf32, #tpu.memory_space<vmem>>, vector<16xf32>,
      tpu.vector_store %arg15[%swap3A_87], %broadcast_in_dim3A_6 {strides = array<i32>} : memref<65536xf32, #tpu.memory_space<vmem>>, vector<16xf32>,
      %mul3A_89 = arith.constant 256 : i32
      %mul3A_90 = arith.muli %scan3A_35, %mul3A_89 : i32
      %add3A_91 = arith.constant 144 : i32
      %add3A_92 = arith.addi %mul3A_90, %add3A_91 : i32
      %swap3A_93 = arith.index_cast %add3A_92 : i32 to index
      %swap3A_94 = tpu.vector_load %arg15[%swap3A_93] {strides = array<i32>} : memref<65536xf32, #tpu.memory_space<vmem>>, vector<16xf32>,
      tpu.vector_store %arg15[%swap3A_93], %broadcast_in_dim3A_6 {strides = array<i32>} : memref<65536xf32, #tpu.memory_space<vmem>>, vector<16xf32>,
      %mul3A_95 = arith.constant 256 : i32
      %mul3A_96 = arith.muli %scan3A_35, %mul3A_95 : i32
      %add3A_97 = arith.constant 160 : i32
      %add3A_98 = arith.addi %mul3A_96, %add3A_97 : i32
      %swap3A_99 = arith.index_cast %add3A_98 : i32 to index
      %swap3A_100 = tpu.vector_load %arg15[%swap3A_99] {strides = array<i32>} : memref<65536xf32, #tpu.memory_space<vmem>>, vector<16xf32>,
      tpu.vector_store %arg15[%swap3A_99], %broadcast_in_dim3A_6 {strides = array<i32>} : memref<65536xf32, #tpu.memory_space<vmem>>, vector<16xf32>,
      %mul3A_101 = arith.constant 256 : i32
      %mul3A_102 = arith.muli %scan3A_35, %mul3A_101 : i32
      %add3A_103 = arith.constant 176 : i32
      %add3A_104 = arith.addi %mul3A_102, %add3A_103 : i32
      %swap3A_105 = arith.index_cast %add3A_104 : i32 to index
      %swap3A_106 = tpu.vector_load %arg15[%swap3A_105] {strides = array<i32>} : memref<65536xf32, #tpu.memory_space<vmem>>, vector<16xf32>,
      tpu.vector_store %arg15[%swap3A_105], %broadcast_in_dim3A_6 {strides = array<i32>} : memref<65536xf32, #tpu.memory_space<vmem>>, vector<16xf32>,
      %mul3A_107 = arith.constant 256 : i32
      %mul3A_108 = arith.muli %scan3A_35, %mul3A_107 : i32
      %add3A_109 = arith.constant 192 : i32
      %add3A_110 = arith.addi %mul3A_108, %add3A_109 : i32
      %swap3A_111 = arith.index_cast %add3A_110 : i32 to index
      %swap3A_112 = tpu.vector_load %arg15[%swap3A_111] {strides = array<i32>} : memref<65536xf32, #tpu.memory_space<vmem>>, vector<16xf32>,
      tpu.vector_store %arg15[%swap3A_111], %broadcast_in_dim3A_6 {strides = array<i32>} : memref<65536xf32, #tpu.memory_space<vmem>>, vector<16xf32>,
      %mul3A_113 = arith.constant 256 : i32
      %mul3A_114 = arith.muli %scan3A_35, %mul3A_113 : i32
      %add3A_115 = arith.constant 208 : i32
      %add3A_116 = arith.addi %mul3A_114, %add3A_115 : i32
      %swap3A_117 = arith.index_cast %add3A_116 : i32 to index
      %swap3A_118 = tpu.vector_load %arg15[%swap3A_117] {strides = array<i32>} : memref<65536xf32, #tpu.memory_space<vmem>>, vector<16xf32>,
      tpu.vector_store %arg15[%swap3A_117], %broadcast_in_dim3A_6 {strides = array<i32>} : memref<65536xf32, #tpu.memory_space<vmem>>, vector<16xf32>,
      %mul3A_119 = arith.constant 256 : i32
      %mul3A_120 = arith.muli %scan3A_35, %mul3A_119 : i32
      %add3A_121 = arith.constant 224 : i32
      %add3A_122 = arith.addi %mul3A_120, %add3A_121 : i32
      %swap3A_123 = arith.index_cast %add3A_122 : i32 to index
      %swap3A_124 = tpu.vector_load %arg15[%swap3A_123] {strides = array<i32>} : memref<65536xf32, #tpu.memory_space<vmem>>, vector<16xf32>,
      tpu.vector_store %arg15[%swap3A_123], %broadcast_in_dim3A_6 {strides = array<i32>} : memref<65536xf32, #tpu.memory_space<vmem>>, vector<16xf32>,
      %mul3A_125 = arith.constant 256 : i32
      %mul3A_126 = arith.muli %scan3A_35, %mul3A_125 : i32
      %add3A_127 = arith.constant 240 : i32
      %add3A_128 = arith.addi %mul3A_126, %add3A_127 : i32
      %swap3A_129 = arith.index_cast %add3A_128 : i32 to index
      %swap3A_130 = tpu.vector_load %arg15[%swap3A_129] {strides = array<i32>} : memref<65536xf32, #tpu.memory_space<vmem>>, vector<16xf32>,
      tpu.vector_store %arg15[%swap3A_129], %broadcast_in_dim3A_6 {strides = array<i32>} : memref<65536xf32, #tpu.memory_space<vmem>>, vector<16xf32>,
    }
    %scan3A_11 = arith.constant 256 : i32
    tpu.wait_dma2 semaphore(%arg17 : memref<!tpu.dma_semaphore, #tpu.memory_space<semaphore_mem>>) src(%arg2 : memref<1024xi32, #tpu.memory_space<hbm>>) dst(%arg9 : memref<1024xi32, #tpu.memory_space<vmem>>)
    %dma_wait3A = tpu.memref_slice %arg3[%mul3A_2] : memref<16384xi32, #tpu.memory_space<hbm>> -> memref<512xi32, #tpu.memory_space<hbm>>
    %dma_wait3A_12 = tpu.memref_slice %arg3[%mul3A_2] : memref<16384xi32, #tpu.memory_space<hbm>> -> memref<512xi32, #tpu.memory_space<hbm>>
    tpu.wait_dma2 semaphore(%arg17 : memref<!tpu.dma_semaphore, #tpu.memory_space<semaphore_mem>>) src(%dma_wait3A_12 : memref<512xi32, #tpu.memory_space<hbm>>) dst(%arg10 : memref<512xi32, #tpu.memory_space<vmem>>)
    %dma_wait3A_13 = tpu.memref_slice %arg4[%mul3A_2] : memref<16384xi32, #tpu.memory_space<hbm>> -> memref<512xi32, #tpu.memory_space<hbm>>
    %dma_wait3A_14 = tpu.memref_slice %arg4[%mul3A_2] : memref<16384xi32, #tpu.memory_space<hbm>> -> memref<512xi32, #tpu.memory_space<hbm>>
    tpu.wait_dma2 semaphore(%arg17 : memref<!tpu.dma_semaphore, #tpu.memory_space<semaphore_mem>>) src(%dma_wait3A_14 : memref<512xi32, #tpu.memory_space<hbm>>) dst(%arg11 : memref<512xi32, #tpu.memory_space<vmem>>)
    tpu.wait_dma2 semaphore(%arg17 : memref<!tpu.dma_semaphore, #tpu.memory_space<semaphore_mem>>) src(%arg5 : memref<16384xf32, #tpu.memory_space<hbm>>) dst(%arg12 : memref<16384xf32, #tpu.memory_space<vmem>>)
    tpu.wait_dma2 semaphore(%arg17 : memref<!tpu.dma_semaphore, #tpu.memory_space<semaphore_mem>>) src(%arg6 : memref<16384xf32, #tpu.memory_space<hbm>>) dst(%arg13 : memref<16384xf32, #tpu.memory_space<vmem>>)
    tpu.wait_dma2 semaphore(%arg17 : memref<!tpu.dma_semaphore, #tpu.memory_space<semaphore_mem>>) src(%arg7 : memref<768xf32, #tpu.memory_space<hbm>>) dst(%arg14 : memref<768xf32, #tpu.memory_space<vmem>>)
    %iota3A = tpu.iota {dimensions = array<i32: 0>} : vector<16xi32>
    %mul3A_15 = arith.constant 4096 : i32
    %mul3A_16 = vector.broadcast %mul3A_15 : i32 to vector<16xi32>
    %mul3A_17 = arith.muli %iota3A, %mul3A_16 : vector<16xi32>
    %mul3A_18 = arith.constant 32 : i32
    %mul3A_19 = vector.broadcast %mul3A_18 : i32 to vector<16xi32>
    %mul3A_20 = arith.muli %iota3A, %mul3A_19 : vector<16xi32>
    %scan3A_21 = arith.constant 0 : i32
    %scan3A_22 = arith.constant 0 : i32
    %scan3A_23 = arith.constant 16 : i32
    %scan3A_24 = arith.addi %scan3A_22, %scan3A_23 : i32
    %scan3A_25 = arith.constant 1 : i32
    scf.for %scan3A_35 = %scan3A_22 to %scan3A_24 step %scan3A_25  : i32 {
      %mul3A_36 = arith.constant 2 : i32
      %mul3A_37 = arith.muli %scan3A_35, %mul3A_36 : i32
      %add3A_38 = vector.broadcast %mul3A_37 : i32 to vector<16xi32>
      %add3A_39 = arith.addi %mul3A_20, %add3A_38 : vector<16xi32>
      %gather3A = tpu.vector_load_idx %arg10[%add3A_39] : memref<512xi32, #tpu.memory_space<vmem>>[vector<16xi32>], vector<16xi32>,
      %gather3A_40 = tpu.vector_load_idx %arg11[%add3A_39] : memref<512xi32, #tpu.memory_space<vmem>>[vector<16xi32>], vector<16xi32>,
      %gather3A_41 = tpu.vector_load_idx %arg9[%gather3A_40] : memref<1024xi32, #tpu.memory_space<vmem>>[vector<16xi32>], vector<16xi32>,
      %mul3A_42 = arith.constant 16 : i32
      %mul3A_43 = vector.broadcast %mul3A_42 : i32 to vector<16xi32>
      %mul3A_44 = arith.muli %gather3A_41, %mul3A_43 : vector<16xi32>
      %gather3A_45 = tpu.vector_load_idx %arg9[%gather3A] : memref<1024xi32, #tpu.memory_space<vmem>>[vector<16xi32>], vector<16xi32>,
      %mul3A_46 = arith.constant 16 : i32
      %mul3A_47 = vector.broadcast %mul3A_46 : i32 to vector<16xi32>
      %mul3A_48 = arith.muli %gather3A_45, %mul3A_47 : vector<16xi32>
      %add3A_49 = arith.constant 0 : i32
      %add3A_50 = vector.broadcast %add3A_49 : i32 to vector<16xi32>
      %add3A_51 = arith.addi %mul3A_44, %add3A_50 : vector<16xi32>
      %gather3A_52 = tpu.vector_load_idx %arg12[%add3A_51] : memref<16384xf32, #tpu.memory_space<vmem>>[vector<16xi32>], vector<16xf32>,
      %add3A_53 = arith.constant 0 : i32
      %add3A_54 = vector.broadcast %add3A_53 : i32 to vector<16xi32>
      %add3A_55 = arith.addi %mul3A_48, %add3A_54 : vector<16xi32>
      %gather3A_56 = tpu.vector_load_idx %arg13[%add3A_55] : memref<16384xf32, #tpu.memory_space<vmem>>[vector<16xi32>], vector<16xf32>,
      %add3A_57 = arith.addf %gather3A_52, %gather3A_56 : vector<16xf32>
      %max3A = arith.constant 0.000000e+00 : f32
      %max3A_58 = vector.broadcast %max3A : f32 to vector<16xf32>
      %max3A_59 = arith.maximumf %add3A_57, %max3A_58 : vector<16xf32>
      %bitcast3A = vector.bitcast %max3A_59 : vector<16xf32> to vector<16xi32>
      %add3A_60 = arith.constant 32767 : i32
      %add3A_61 = vector.broadcast %add3A_60 : i32 to vector<16xi32>
      %add3A_62 = arith.addi %bitcast3A, %add3A_61 : vector<16xi32>
      %shift_right_arithmetic3A = arith.constant 16 : i32
      %shift_right_arithmetic3A_63 = vector.broadcast %shift_right_arithmetic3A : i32 to vector<16xi32>
      %shift_right_arithmetic3A_64 = arith.shrsi %bitcast3A, %shift_right_arithmetic3A_63 : vector<16xi32>
      %and3A = arith.constant 1 : i32
      %and3A_65 = vector.broadcast %and3A : i32 to vector<16xi32>
      %and3A_66 = arith.andi %shift_right_arithmetic3A_64, %and3A_65 : vector<16xi32>
      %add3A_67 = arith.addi %add3A_62, %and3A_66 : vector<16xi32>
      %and3A_68 = arith.constant -65536 : i32
      %and3A_69 = vector.broadcast %and3A_68 : i32 to vector<16xi32>
      %and3A_70 = arith.andi %add3A_67, %and3A_69 : vector<16xi32>
      %bitcast3A_71 = vector.bitcast %and3A_70 : vector<16xi32> to vector<16xf32>
      %add3A_72 = arith.constant 1 : i32
      %add3A_73 = vector.broadcast %add3A_72 : i32 to vector<16xi32>
      %add3A_74 = arith.addi %mul3A_44, %add3A_73 : vector<16xi32>
      %gather3A_75 = tpu.vector_load_idx %arg12[%add3A_74] : memref<16384xf32, #tpu.memory_space<vmem>>[vector<16xi32>], vector<16xf32>,
      %add3A_76 = arith.constant 1 : i32
      %add3A_77 = vector.broadcast %add3A_76 : i32 to vector<16xi32>
      %add3A_78 = arith.addi %mul3A_48, %add3A_77 : vector<16xi32>
      %gather3A_79 = tpu.vector_load_idx %arg13[%add3A_78] : memref<16384xf32, #tpu.memory_space<vmem>>[vector<16xi32>], vector<16xf32>,
      %add3A_80 = arith.addf %gather3A_75, %gather3A_79 : vector<16xf32>
      %max3A_81 = arith.constant 0.000000e+00 : f32
      %max3A_82 = vector.broadcast %max3A_81 : f32 to vector<16xf32>
      %max3A_83 = arith.maximumf %add3A_80, %max3A_82 : vector<16xf32>
      %bitcast3A_84 = vector.bitcast %max3A_83 : vector<16xf32> to vector<16xi32>
      %add3A_85 = arith.constant 32767 : i32
      %add3A_86 = vector.broadcast %add3A_85 : i32 to vector<16xi32>
      %add3A_87 = arith.addi %bitcast3A_84, %add3A_86 : vector<16xi32>
      %shift_right_arithmetic3A_88 = arith.constant 16 : i32
      %shift_right_arithmetic3A_89 = vector.broadcast %shift_right_arithmetic3A_88 : i32 to vector<16xi32>
      %shift_right_arithmetic3A_90 = arith.shrsi %bitcast3A_84, %shift_right_arithmetic3A_89 : vector<16xi32>
      %and3A_91 = arith.constant 1 : i32
      %and3A_92 = vector.broadcast %and3A_91 : i32 to vector<16xi32>
      %and3A_93 = arith.andi %shift_right_arithmetic3A_90, %and3A_92 : vector<16xi32>
      %add3A_94 = arith.addi %add3A_87, %and3A_93 : vector<16xi32>
      %and3A_95 = arith.constant -65536 : i32
      %and3A_96 = vector.broadcast %and3A_95 : i32 to vector<16xi32>
      %and3A_97 = arith.andi %add3A_94, %and3A_96 : vector<16xi32>
      %bitcast3A_98 = vector.bitcast %and3A_97 : vector<16xi32> to vector<16xf32>
      %add3A_99 = arith.constant 2 : i32
      %add3A_100 = vector.broadcast %add3A_99 : i32 to vector<16xi32>
      %add3A_101 = arith.addi %mul3A_44, %add3A_100 : vector<16xi32>
      %gather3A_102 = tpu.vector_load_idx %arg12[%add3A_101] : memref<16384xf32, #tpu.memory_space<vmem>>[vector<16xi32>], vector<16xf32>,
      %add3A_103 = arith.constant 2 : i32
      %add3A_104 = vector.broadcast %add3A_103 : i32 to vector<16xi32>
      %add3A_105 = arith.addi %mul3A_48, %add3A_104 : vector<16xi32>
      %gather3A_106 = tpu.vector_load_idx %arg13[%add3A_105] : memref<16384xf32, #tpu.memory_space<vmem>>[vector<16xi32>], vector<16xf32>,
      %add3A_107 = arith.addf %gather3A_102, %gather3A_106 : vector<16xf32>
      %max3A_108 = arith.constant 0.000000e+00 : f32
      %max3A_109 = vector.broadcast %max3A_108 : f32 to vector<16xf32>
      %max3A_110 = arith.maximumf %add3A_107, %max3A_109 : vector<16xf32>
      %bitcast3A_111 = vector.bitcast %max3A_110 : vector<16xf32> to vector<16xi32>
      %add3A_112 = arith.constant 32767 : i32
      %add3A_113 = vector.broadcast %add3A_112 : i32 to vector<16xi32>
      %add3A_114 = arith.addi %bitcast3A_111, %add3A_113 : vector<16xi32>
      %shift_right_arithmetic3A_115 = arith.constant 16 : i32
      %shift_right_arithmetic3A_116 = vector.broadcast %shift_right_arithmetic3A_115 : i32 to vector<16xi32>
      %shift_right_arithmetic3A_117 = arith.shrsi %bitcast3A_111, %shift_right_arithmetic3A_116 : vector<16xi32>
      %and3A_118 = arith.constant 1 : i32
      %and3A_119 = vector.broadcast %and3A_118 : i32 to vector<16xi32>
      %and3A_120 = arith.andi %shift_right_arithmetic3A_117, %and3A_119 : vector<16xi32>
      %add3A_121 = arith.addi %add3A_114, %and3A_120 : vector<16xi32>
      %and3A_122 = arith.constant -65536 : i32
      %and3A_123 = vector.broadcast %and3A_122 : i32 to vector<16xi32>
      %and3A_124 = arith.andi %add3A_121, %and3A_123 : vector<16xi32>
      %bitcast3A_125 = vector.bitcast %and3A_124 : vector<16xi32> to vector<16xf32>
      %add3A_126 = arith.constant 3 : i32
      %add3A_127 = vector.broadcast %add3A_126 : i32 to vector<16xi32>
      %add3A_128 = arith.addi %mul3A_44, %add3A_127 : vector<16xi32>
      %gather3A_129 = tpu.vector_load_idx %arg12[%add3A_128] : memref<16384xf32, #tpu.memory_space<vmem>>[vector<16xi32>], vector<16xf32>,
      %add3A_130 = arith.constant 3 : i32
      %add3A_131 = vector.broadcast %add3A_130 : i32 to vector<16xi32>
      %add3A_132 = arith.addi %mul3A_48, %add3A_131 : vector<16xi32>
      %gather3A_133 = tpu.vector_load_idx %arg13[%add3A_132] : memref<16384xf32, #tpu.memory_space<vmem>>[vector<16xi32>], vector<16xf32>,
      %add3A_134 = arith.addf %gather3A_129, %gather3A_133 : vector<16xf32>
      %max3A_135 = arith.constant 0.000000e+00 : f32
      %max3A_136 = vector.broadcast %max3A_135 : f32 to vector<16xf32>
      %max3A_137 = arith.maximumf %add3A_134, %max3A_136 : vector<16xf32>
      %bitcast3A_138 = vector.bitcast %max3A_137 : vector<16xf32> to vector<16xi32>
      %add3A_139 = arith.constant 32767 : i32
      %add3A_140 = vector.broadcast %add3A_139 : i32 to vector<16xi32>
      %add3A_141 = arith.addi %bitcast3A_138, %add3A_140 : vector<16xi32>
      %shift_right_arithmetic3A_142 = arith.constant 16 : i32
      %shift_right_arithmetic3A_143 = vector.broadcast %shift_right_arithmetic3A_142 : i32 to vector<16xi32>
      %shift_right_arithmetic3A_144 = arith.shrsi %bitcast3A_138, %shift_right_arithmetic3A_143 : vector<16xi32>
      %and3A_145 = arith.constant 1 : i32
      %and3A_146 = vector.broadcast %and3A_145 : i32 to vector<16xi32>
      %and3A_147 = arith.andi %shift_right_arithmetic3A_144, %and3A_146 : vector<16xi32>
      %add3A_148 = arith.addi %add3A_141, %and3A_147 : vector<16xi32>
      %and3A_149 = arith.constant -65536 : i32
      %and3A_150 = vector.broadcast %and3A_149 : i32 to vector<16xi32>
      %and3A_151 = arith.andi %add3A_148, %and3A_150 : vector<16xi32>
      %bitcast3A_152 = vector.bitcast %and3A_151 : vector<16xi32> to vector<16xf32>
      %add3A_153 = arith.constant 4 : i32
      %add3A_154 = vector.broadcast %add3A_153 : i32 to vector<16xi32>
      %add3A_155 = arith.addi %mul3A_44, %add3A_154 : vector<16xi32>
      %gather3A_156 = tpu.vector_load_idx %arg12[%add3A_155] : memref<16384xf32, #tpu.memory_space<vmem>>[vector<16xi32>], vector<16xf32>,
      %add3A_157 = arith.constant 4 : i32
      %add3A_158 = vector.broadcast %add3A_157 : i32 to vector<16xi32>
      %add3A_159 = arith.addi %mul3A_48, %add3A_158 : vector<16xi32>
      %gather3A_160 = tpu.vector_load_idx %arg13[%add3A_159] : memref<16384xf32, #tpu.memory_space<vmem>>[vector<16xi32>], vector<16xf32>,
      %add3A_161 = arith.addf %gather3A_156, %gather3A_160 : vector<16xf32>
      %max3A_162 = arith.constant 0.000000e+00 : f32
      %max3A_163 = vector.broadcast %max3A_162 : f32 to vector<16xf32>
      %max3A_164 = arith.maximumf %add3A_161, %max3A_163 : vector<16xf32>
      %bitcast3A_165 = vector.bitcast %max3A_164 : vector<16xf32> to vector<16xi32>
      %add3A_166 = arith.constant 32767 : i32
      %add3A_167 = vector.broadcast %add3A_166 : i32 to vector<16xi32>
      %add3A_168 = arith.addi %bitcast3A_165, %add3A_167 : vector<16xi32>
      %shift_right_arithmetic3A_169 = arith.constant 16 : i32
      %shift_right_arithmetic3A_170 = vector.broadcast %shift_right_arithmetic3A_169 : i32 to vector<16xi32>
      %shift_right_arithmetic3A_171 = arith.shrsi %bitcast3A_165, %shift_right_arithmetic3A_170 : vector<16xi32>
      %and3A_172 = arith.constant 1 : i32
      %and3A_173 = vector.broadcast %and3A_172 : i32 to vector<16xi32>
      %and3A_174 = arith.andi %shift_right_arithmetic3A_171, %and3A_173 : vector<16xi32>
      %add3A_175 = arith.addi %add3A_168, %and3A_174 : vector<16xi32>
      %and3A_176 = arith.constant -65536 : i32
      %and3A_177 = vector.broadcast %and3A_176 : i32 to vector<16xi32>
      %and3A_178 = arith.andi %add3A_175, %and3A_177 : vector<16xi32>
      %bitcast3A_179 = vector.bitcast %and3A_178 : vector<16xi32> to vector<16xf32>
      %add3A_180 = arith.constant 5 : i32
      %add3A_181 = vector.broadcast %add3A_180 : i32 to vector<16xi32>
      %add3A_182 = arith.addi %mul3A_44, %add3A_181 : vector<16xi32>
      %gather3A_183 = tpu.vector_load_idx %arg12[%add3A_182] : memref<16384xf32, #tpu.memory_space<vmem>>[vector<16xi32>], vector<16xf32>,
      %add3A_184 = arith.constant 5 : i32
      %add3A_185 = vector.broadcast %add3A_184 : i32 to vector<16xi32>
      %add3A_186 = arith.addi %mul3A_48, %add3A_185 : vector<16xi32>
      %gather3A_187 = tpu.vector_load_idx %arg13[%add3A_186] : memref<16384xf32, #tpu.memory_space<vmem>>[vector<16xi32>], vector<16xf32>,
      %add3A_188 = arith.addf %gather3A_183, %gather3A_187 : vector<16xf32>
      %max3A_189 = arith.constant 0.000000e+00 : f32
      %max3A_190 = vector.broadcast %max3A_189 : f32 to vector<16xf32>
      %max3A_191 = arith.maximumf %add3A_188, %max3A_190 : vector<16xf32>
      %bitcast3A_192 = vector.bitcast %max3A_191 : vector<16xf32> to vector<16xi32>
      %add3A_193 = arith.constant 32767 : i32
      %add3A_194 = vector.broadcast %add3A_193 : i32 to vector<16xi32>
      %add3A_195 = arith.addi %bitcast3A_192, %add3A_194 : vector<16xi32>
      %shift_right_arithmetic3A_196 = arith.constant 16 : i32
      %shift_right_arithmetic3A_197 = vector.broadcast %shift_right_arithmetic3A_196 : i32 to vector<16xi32>
      %shift_right_arithmetic3A_198 = arith.shrsi %bitcast3A_192, %shift_right_arithmetic3A_197 : vector<16xi32>
      %and3A_199 = arith.constant 1 : i32
      %and3A_200 = vector.broadcast %and3A_199 : i32 to vector<16xi32>
      %and3A_201 = arith.andi %shift_right_arithmetic3A_198, %and3A_200 : vector<16xi32>
      %add3A_202 = arith.addi %add3A_195, %and3A_201 : vector<16xi32>
      %and3A_203 = arith.constant -65536 : i32
      %and3A_204 = vector.broadcast %and3A_203 : i32 to vector<16xi32>
      %and3A_205 = arith.andi %add3A_202, %and3A_204 : vector<16xi32>
      %bitcast3A_206 = vector.bitcast %and3A_205 : vector<16xi32> to vector<16xf32>
      %add3A_207 = arith.constant 6 : i32
      %add3A_208 = vector.broadcast %add3A_207 : i32 to vector<16xi32>
      %add3A_209 = arith.addi %mul3A_44, %add3A_208 : vector<16xi32>
      %gather3A_210 = tpu.vector_load_idx %arg12[%add3A_209] : memref<16384xf32, #tpu.memory_space<vmem>>[vector<16xi32>], vector<16xf32>,
      %add3A_211 = arith.constant 6 : i32
      %add3A_212 = vector.broadcast %add3A_211 : i32 to vector<16xi32>
      %add3A_213 = arith.addi %mul3A_48, %add3A_212 : vector<16xi32>
      %gather3A_214 = tpu.vector_load_idx %arg13[%add3A_213] : memref<16384xf32, #tpu.memory_space<vmem>>[vector<16xi32>], vector<16xf32>,
      %add3A_215 = arith.addf %gather3A_210, %gather3A_214 : vector<16xf32>
      %max3A_216 = arith.constant 0.000000e+00 : f32
      %max3A_217 = vector.broadcast %max3A_216 : f32 to vector<16xf32>
      %max3A_218 = arith.maximumf %add3A_215, %max3A_217 : vector<16xf32>
      %bitcast3A_219 = vector.bitcast %max3A_218 : vector<16xf32> to vector<16xi32>
      %add3A_220 = arith.constant 32767 : i32
      %add3A_221 = vector.broadcast %add3A_220 : i32 to vector<16xi32>
      %add3A_222 = arith.addi %bitcast3A_219, %add3A_221 : vector<16xi32>
      %shift_right_arithmetic3A_223 = arith.constant 16 : i32
      %shift_right_arithmetic3A_224 = vector.broadcast %shift_right_arithmetic3A_223 : i32 to vector<16xi32>
      %shift_right_arithmetic3A_225 = arith.shrsi %bitcast3A_219, %shift_right_arithmetic3A_224 : vector<16xi32>
      %and3A_226 = arith.constant 1 : i32
      %and3A_227 = vector.broadcast %and3A_226 : i32 to vector<16xi32>
      %and3A_228 = arith.andi %shift_right_arithmetic3A_225, %and3A_227 : vector<16xi32>
      %add3A_229 = arith.addi %add3A_222, %and3A_228 : vector<16xi32>
      %and3A_230 = arith.constant -65536 : i32
      %and3A_231 = vector.broadcast %and3A_230 : i32 to vector<16xi32>
      %and3A_232 = arith.andi %add3A_229, %and3A_231 : vector<16xi32>
      %bitcast3A_233 = vector.bitcast %and3A_232 : vector<16xi32> to vector<16xf32>
      %add3A_234 = arith.constant 7 : i32
      %add3A_235 = vector.broadcast %add3A_234 : i32 to vector<16xi32>
      %add3A_236 = arith.addi %mul3A_44, %add3A_235 : vector<16xi32>
      %gather3A_237 = tpu.vector_load_idx %arg12[%add3A_236] : memref<16384xf32, #tpu.memory_space<vmem>>[vector<16xi32>], vector<16xf32>,
      %add3A_238 = arith.constant 7 : i32
      %add3A_239 = vector.broadcast %add3A_238 : i32 to vector<16xi32>
      %add3A_240 = arith.addi %mul3A_48, %add3A_239 : vector<16xi32>
      %gather3A_241 = tpu.vector_load_idx %arg13[%add3A_240] : memref<16384xf32, #tpu.memory_space<vmem>>[vector<16xi32>], vector<16xf32>,
      %add3A_242 = arith.addf %gather3A_237, %gather3A_241 : vector<16xf32>
      %max3A_243 = arith.constant 0.000000e+00 : f32
      %max3A_244 = vector.broadcast %max3A_243 : f32 to vector<16xf32>
      %max3A_245 = arith.maximumf %add3A_242, %max3A_244 : vector<16xf32>
      %bitcast3A_246 = vector.bitcast %max3A_245 : vector<16xf32> to vector<16xi32>
      %add3A_247 = arith.constant 32767 : i32
      %add3A_248 = vector.broadcast %add3A_247 : i32 to vector<16xi32>
      %add3A_249 = arith.addi %bitcast3A_246, %add3A_248 : vector<16xi32>
      %shift_right_arithmetic3A_250 = arith.constant 16 : i32
      %shift_right_arithmetic3A_251 = vector.broadcast %shift_right_arithmetic3A_250 : i32 to vector<16xi32>
      %shift_right_arithmetic3A_252 = arith.shrsi %bitcast3A_246, %shift_right_arithmetic3A_251 : vector<16xi32>
      %and3A_253 = arith.constant 1 : i32
      %and3A_254 = vector.broadcast %and3A_253 : i32 to vector<16xi32>
      %and3A_255 = arith.andi %shift_right_arithmetic3A_252, %and3A_254 : vector<16xi32>
      %add3A_256 = arith.addi %add3A_249, %and3A_255 : vector<16xi32>
      %and3A_257 = arith.constant -65536 : i32
      %and3A_258 = vector.broadcast %and3A_257 : i32 to vector<16xi32>
      %and3A_259 = arith.andi %add3A_256, %and3A_258 : vector<16xi32>
      %bitcast3A_260 = vector.bitcast %and3A_259 : vector<16xi32> to vector<16xf32>
      %add3A_261 = arith.constant 8 : i32
      %add3A_262 = vector.broadcast %add3A_261 : i32 to vector<16xi32>
      %add3A_263 = arith.addi %mul3A_44, %add3A_262 : vector<16xi32>
      %gather3A_264 = tpu.vector_load_idx %arg12[%add3A_263] : memref<16384xf32, #tpu.memory_space<vmem>>[vector<16xi32>], vector<16xf32>,
      %add3A_265 = arith.constant 8 : i32
      %add3A_266 = vector.broadcast %add3A_265 : i32 to vector<16xi32>
      %add3A_267 = arith.addi %mul3A_48, %add3A_266 : vector<16xi32>
      %gather3A_268 = tpu.vector_load_idx %arg13[%add3A_267] : memref<16384xf32, #tpu.memory_space<vmem>>[vector<16xi32>], vector<16xf32>,
      %add3A_269 = arith.addf %gather3A_264, %gather3A_268 : vector<16xf32>
      %max3A_270 = arith.constant 0.000000e+00 : f32
      %max3A_271 = vector.broadcast %max3A_270 : f32 to vector<16xf32>
      %max3A_272 = arith.maximumf %add3A_269, %max3A_271 : vector<16xf32>
      %bitcast3A_273 = vector.bitcast %max3A_272 : vector<16xf32> to vector<16xi32>
      %add3A_274 = arith.constant 32767 : i32
      %add3A_275 = vector.broadcast %add3A_274 : i32 to vector<16xi32>
      %add3A_276 = arith.addi %bitcast3A_273, %add3A_275 : vector<16xi32>
      %shift_right_arithmetic3A_277 = arith.constant 16 : i32
      %shift_right_arithmetic3A_278 = vector.broadcast %shift_right_arithmetic3A_277 : i32 to vector<16xi32>
      %shift_right_arithmetic3A_279 = arith.shrsi %bitcast3A_273, %shift_right_arithmetic3A_278 : vector<16xi32>
      %and3A_280 = arith.constant 1 : i32
      %and3A_281 = vector.broadcast %and3A_280 : i32 to vector<16xi32>
      %and3A_282 = arith.andi %shift_right_arithmetic3A_279, %and3A_281 : vector<16xi32>
      %add3A_283 = arith.addi %add3A_276, %and3A_282 : vector<16xi32>
      %and3A_284 = arith.constant -65536 : i32
      %and3A_285 = vector.broadcast %and3A_284 : i32 to vector<16xi32>
      %and3A_286 = arith.andi %add3A_283, %and3A_285 : vector<16xi32>
      %bitcast3A_287 = vector.bitcast %and3A_286 : vector<16xi32> to vector<16xf32>
      %add3A_288 = arith.constant 9 : i32
      %add3A_289 = vector.broadcast %add3A_288 : i32 to vector<16xi32>
      %add3A_290 = arith.addi %mul3A_44, %add3A_289 : vector<16xi32>
      %gather3A_291 = tpu.vector_load_idx %arg12[%add3A_290] : memref<16384xf32, #tpu.memory_space<vmem>>[vector<16xi32>], vector<16xf32>,
      %add3A_292 = arith.constant 9 : i32
      %add3A_293 = vector.broadcast %add3A_292 : i32 to vector<16xi32>
      %add3A_294 = arith.addi %mul3A_48, %add3A_293 : vector<16xi32>
      %gather3A_295 = tpu.vector_load_idx %arg13[%add3A_294] : memref<16384xf32, #tpu.memory_space<vmem>>[vector<16xi32>], vector<16xf32>,
      %add3A_296 = arith.addf %gather3A_291, %gather3A_295 : vector<16xf32>
      %max3A_297 = arith.constant 0.000000e+00 : f32
      %max3A_298 = vector.broadcast %max3A_297 : f32 to vector<16xf32>
      %max3A_299 = arith.maximumf %add3A_296, %max3A_298 : vector<16xf32>
      %bitcast3A_300 = vector.bitcast %max3A_299 : vector<16xf32> to vector<16xi32>
      %add3A_301 = arith.constant 32767 : i32
      %add3A_302 = vector.broadcast %add3A_301 : i32 to vector<16xi32>
      %add3A_303 = arith.addi %bitcast3A_300, %add3A_302 : vector<16xi32>
      %shift_right_arithmetic3A_304 = arith.constant 16 : i32
      %shift_right_arithmetic3A_305 = vector.broadcast %shift_right_arithmetic3A_304 : i32 to vector<16xi32>
      %shift_right_arithmetic3A_306 = arith.shrsi %bitcast3A_300, %shift_right_arithmetic3A_305 : vector<16xi32>
      %and3A_307 = arith.constant 1 : i32
      %and3A_308 = vector.broadcast %and3A_307 : i32 to vector<16xi32>
      %and3A_309 = arith.andi %shift_right_arithmetic3A_306, %and3A_308 : vector<16xi32>
      %add3A_310 = arith.addi %add3A_303, %and3A_309 : vector<16xi32>
      %and3A_311 = arith.constant -65536 : i32
      %and3A_312 = vector.broadcast %and3A_311 : i32 to vector<16xi32>
      %and3A_313 = arith.andi %add3A_310, %and3A_312 : vector<16xi32>
      %bitcast3A_314 = vector.bitcast %and3A_313 : vector<16xi32> to vector<16xf32>
      %get3A = arith.constant 0 : index
      %get3A_315 = tpu.vector_load %arg14[%get3A] {strides = array<i32>} : memref<768xf32, #tpu.memory_space<vmem>>, vector<16xf32>,
      %get3A_316 = arith.constant 64 : index
      %get3A_317 = tpu.vector_load %arg14[%get3A_316] {strides = array<i32>} : memref<768xf32, #tpu.memory_space<vmem>>, vector<16xf32>,
      %get3A_318 = arith.constant 128 : index
      %get3A_319 = tpu.vector_load %arg14[%get3A_318] {strides = array<i32>} : memref<768xf32, #tpu.memory_space<vmem>>, vector<16xf32>,
      %get3A_320 = arith.constant 192 : index
      %get3A_321 = tpu.vector_load %arg14[%get3A_320] {strides = array<i32>} : memref<768xf32, #tpu.memory_space<vmem>>, vector<16xf32>,
      %get3A_322 = arith.constant 256 : index
      %get3A_323 = tpu.vector_load %arg14[%get3A_322] {strides = array<i32>} : memref<768xf32, #tpu.memory_space<vmem>>, vector<16xf32>,
      %get3A_324 = arith.constant 320 : index
      %get3A_325 = tpu.vector_load %arg14[%get3A_324] {strides = array<i32>} : memref<768xf32, #tpu.memory_space<vmem>>, vector<16xf32>,
      %get3A_326 = arith.constant 384 : index
      %get3A_327 = tpu.vector_load %arg14[%get3A_326] {strides = array<i32>} : memref<768xf32, #tpu.memory_space<vmem>>, vector<16xf32>,
      %get3A_328 = arith.constant 448 : index
      %get3A_329 = tpu.vector_load %arg14[%get3A_328] {strides = array<i32>} : memref<768xf32, #tpu.memory_space<vmem>>, vector<16xf32>,
      %get3A_330 = arith.constant 512 : index
      %get3A_331 = tpu.vector_load %arg14[%get3A_330] {strides = array<i32>} : memref<768xf32, #tpu.memory_space<vmem>>, vector<16xf32>,
      %get3A_332 = arith.constant 576 : index
      %get3A_333 = tpu.vector_load %arg14[%get3A_332] {strides = array<i32>} : memref<768xf32, #tpu.memory_space<vmem>>, vector<16xf32>,
      %mul3A_334 = arith.mulf %bitcast3A_71, %get3A_315 : vector<16xf32>
      %mul3A_335 = arith.mulf %bitcast3A_98, %get3A_317 : vector<16xf32>
      %mul3A_336 = arith.mulf %bitcast3A_125, %get3A_319 : vector<16xf32>
      %mul3A_337 = arith.mulf %bitcast3A_152, %get3A_321 : vector<16xf32>
      %mul3A_338 = arith.mulf %bitcast3A_179, %get3A_323 : vector<16xf32>
      %mul3A_339 = arith.mulf %bitcast3A_206, %get3A_325 : vector<16xf32>
      %mul3A_340 = arith.mulf %bitcast3A_233, %get3A_327 : vector<16xf32>
      %mul3A_341 = arith.mulf %bitcast3A_260, %get3A_329 : vector<16xf32>
      %mul3A_342 = arith.mulf %bitcast3A_287, %get3A_331 : vector<16xf32>
      %mul3A_343 = arith.mulf %bitcast3A_314, %get3A_333 : vector<16xf32>
      %add3A_344 = arith.addf %mul3A_334, %mul3A_335 : vector<16xf32>
      %add3A_345 = arith.addf %mul3A_336, %mul3A_337 : vector<16xf32>
      %add3A_346 = arith.addf %mul3A_338, %mul3A_339 : vector<16xf32>
      %add3A_347 = arith.addf %mul3A_340, %mul3A_341 : vector<16xf32>
      %add3A_348 = arith.addf %mul3A_342, %mul3A_343 : vector<16xf32>
      %add3A_349 = arith.addf %add3A_344, %add3A_345 : vector<16xf32>
      %add3A_350 = arith.addf %add3A_346, %add3A_347 : vector<16xf32>
      %add3A_351 = arith.addf %add3A_349, %add3A_350 : vector<16xf32>
      %add3A_352 = arith.addf %add3A_351, %add3A_348 : vector<16xf32>
      %get3A_353 = arith.constant 640 : index
      %get3A_354 = tpu.vector_load %arg14[%get3A_353] {strides = array<i32>} : memref<768xf32, #tpu.memory_space<vmem>>, vector<16xf32>,
      %add3A_355 = arith.addf %add3A_352, %get3A_354 : vector<16xf32>
      %get3A_356 = arith.constant 16 : index
      %get3A_357 = tpu.vector_load %arg14[%get3A_356] {strides = array<i32>} : memref<768xf32, #tpu.memory_space<vmem>>, vector<16xf32>,
      %get3A_358 = arith.constant 80 : index
      %get3A_359 = tpu.vector_load %arg14[%get3A_358] {strides = array<i32>} : memref<768xf32, #tpu.memory_space<vmem>>, vector<16xf32>,
      %get3A_360 = arith.constant 144 : index
      %get3A_361 = tpu.vector_load %arg14[%get3A_360] {strides = array<i32>} : memref<768xf32, #tpu.memory_space<vmem>>, vector<16xf32>,
      %get3A_362 = arith.constant 208 : index
      %get3A_363 = tpu.vector_load %arg14[%get3A_362] {strides = array<i32>} : memref<768xf32, #tpu.memory_space<vmem>>, vector<16xf32>,
      %get3A_364 = arith.constant 272 : index
      %get3A_365 = tpu.vector_load %arg14[%get3A_364] {strides = array<i32>} : memref<768xf32, #tpu.memory_space<vmem>>, vector<16xf32>,
      %get3A_366 = arith.constant 336 : index
      %get3A_367 = tpu.vector_load %arg14[%get3A_366] {strides = array<i32>} : memref<768xf32, #tpu.memory_space<vmem>>, vector<16xf32>,
      %get3A_368 = arith.constant 400 : index
      %get3A_369 = tpu.vector_load %arg14[%get3A_368] {strides = array<i32>} : memref<768xf32, #tpu.memory_space<vmem>>, vector<16xf32>,
      %get3A_370 = arith.constant 464 : index
      %get3A_371 = tpu.vector_load %arg14[%get3A_370] {strides = array<i32>} : memref<768xf32, #tpu.memory_space<vmem>>, vector<16xf32>,
      %get3A_372 = arith.constant 528 : index
      %get3A_373 = tpu.vector_load %arg14[%get3A_372] {strides = array<i32>} : memref<768xf32, #tpu.memory_space<vmem>>, vector<16xf32>,
      %get3A_374 = arith.constant 592 : index
      %get3A_375 = tpu.vector_load %arg14[%get3A_374] {strides = array<i32>} : memref<768xf32, #tpu.memory_space<vmem>>, vector<16xf32>,
      %mul3A_376 = arith.mulf %bitcast3A_71, %get3A_357 : vector<16xf32>
      %mul3A_377 = arith.mulf %bitcast3A_98, %get3A_359 : vector<16xf32>
      %mul3A_378 = arith.mulf %bitcast3A_125, %get3A_361 : vector<16xf32>
      %mul3A_379 = arith.mulf %bitcast3A_152, %get3A_363 : vector<16xf32>
      %mul3A_380 = arith.mulf %bitcast3A_179, %get3A_365 : vector<16xf32>
      %mul3A_381 = arith.mulf %bitcast3A_206, %get3A_367 : vector<16xf32>
      %mul3A_382 = arith.mulf %bitcast3A_233, %get3A_369 : vector<16xf32>
      %mul3A_383 = arith.mulf %bitcast3A_260, %get3A_371 : vector<16xf32>
      %mul3A_384 = arith.mulf %bitcast3A_287, %get3A_373 : vector<16xf32>
      %mul3A_385 = arith.mulf %bitcast3A_314, %get3A_375 : vector<16xf32>
      %add3A_386 = arith.addf %mul3A_376, %mul3A_377 : vector<16xf32>
      %add3A_387 = arith.addf %mul3A_378, %mul3A_379 : vector<16xf32>
      %add3A_388 = arith.addf %mul3A_380, %mul3A_381 : vector<16xf32>
      %add3A_389 = arith.addf %mul3A_382, %mul3A_383 : vector<16xf32>
      %add3A_390 = arith.addf %mul3A_384, %mul3A_385 : vector<16xf32>
      %add3A_391 = arith.addf %add3A_386, %add3A_387 : vector<16xf32>
      %add3A_392 = arith.addf %add3A_388, %add3A_389 : vector<16xf32>
      %add3A_393 = arith.addf %add3A_391, %add3A_392 : vector<16xf32>
      %add3A_394 = arith.addf %add3A_393, %add3A_390 : vector<16xf32>
      %get3A_395 = arith.constant 656 : index
      %get3A_396 = tpu.vector_load %arg14[%get3A_395] {strides = array<i32>} : memref<768xf32, #tpu.memory_space<vmem>>, vector<16xf32>,
      %add3A_397 = arith.addf %add3A_394, %get3A_396 : vector<16xf32>
      %get3A_398 = arith.constant 32 : index
      %get3A_399 = tpu.vector_load %arg14[%get3A_398] {strides = array<i32>} : memref<768xf32, #tpu.memory_space<vmem>>, vector<16xf32>,
      %get3A_400 = arith.constant 96 : index
      %get3A_401 = tpu.vector_load %arg14[%get3A_400] {strides = array<i32>} : memref<768xf32, #tpu.memory_space<vmem>>, vector<16xf32>,
      %get3A_402 = arith.constant 160 : index
      %get3A_403 = tpu.vector_load %arg14[%get3A_402] {strides = array<i32>} : memref<768xf32, #tpu.memory_space<vmem>>, vector<16xf32>,
      %get3A_404 = arith.constant 224 : index
      %get3A_405 = tpu.vector_load %arg14[%get3A_404] {strides = array<i32>} : memref<768xf32, #tpu.memory_space<vmem>>, vector<16xf32>,
      %get3A_406 = arith.constant 288 : index
      %get3A_407 = tpu.vector_load %arg14[%get3A_406] {strides = array<i32>} : memref<768xf32, #tpu.memory_space<vmem>>, vector<16xf32>,
      %get3A_408 = arith.constant 352 : index
      %get3A_409 = tpu.vector_load %arg14[%get3A_408] {strides = array<i32>} : memref<768xf32, #tpu.memory_space<vmem>>, vector<16xf32>,
      %get3A_410 = arith.constant 416 : index
      %get3A_411 = tpu.vector_load %arg14[%get3A_410] {strides = array<i32>} : memref<768xf32, #tpu.memory_space<vmem>>, vector<16xf32>,
      %get3A_412 = arith.constant 480 : index
      %get3A_413 = tpu.vector_load %arg14[%get3A_412] {strides = array<i32>} : memref<768xf32, #tpu.memory_space<vmem>>, vector<16xf32>,
      %get3A_414 = arith.constant 544 : index
      %get3A_415 = tpu.vector_load %arg14[%get3A_414] {strides = array<i32>} : memref<768xf32, #tpu.memory_space<vmem>>, vector<16xf32>,
      %get3A_416 = arith.constant 608 : index
      %get3A_417 = tpu.vector_load %arg14[%get3A_416] {strides = array<i32>} : memref<768xf32, #tpu.memory_space<vmem>>, vector<16xf32>,
      %mul3A_418 = arith.mulf %bitcast3A_71, %get3A_399 : vector<16xf32>
      %mul3A_419 = arith.mulf %bitcast3A_98, %get3A_401 : vector<16xf32>
      %mul3A_420 = arith.mulf %bitcast3A_125, %get3A_403 : vector<16xf32>
      %mul3A_421 = arith.mulf %bitcast3A_152, %get3A_405 : vector<16xf32>
      %mul3A_422 = arith.mulf %bitcast3A_179, %get3A_407 : vector<16xf32>
      %mul3A_423 = arith.mulf %bitcast3A_206, %get3A_409 : vector<16xf32>
      %mul3A_424 = arith.mulf %bitcast3A_233, %get3A_411 : vector<16xf32>
      %mul3A_425 = arith.mulf %bitcast3A_260, %get3A_413 : vector<16xf32>
      %mul3A_426 = arith.mulf %bitcast3A_287, %get3A_415 : vector<16xf32>
      %mul3A_427 = arith.mulf %bitcast3A_314, %get3A_417 : vector<16xf32>
      %add3A_428 = arith.addf %mul3A_418, %mul3A_419 : vector<16xf32>
      %add3A_429 = arith.addf %mul3A_420, %mul3A_421 : vector<16xf32>
      %add3A_430 = arith.addf %mul3A_422, %mul3A_423 : vector<16xf32>
      %add3A_431 = arith.addf %mul3A_424, %mul3A_425 : vector<16xf32>
      %add3A_432 = arith.addf %mul3A_426, %mul3A_427 : vector<16xf32>
      %add3A_433 = arith.addf %add3A_428, %add3A_429 : vector<16xf32>
      %add3A_434 = arith.addf %add3A_430, %add3A_431 : vector<16xf32>
      %add3A_435 = arith.addf %add3A_433, %add3A_434 : vector<16xf32>
      %add3A_436 = arith.addf %add3A_435, %add3A_432 : vector<16xf32>
      %get3A_437 = arith.constant 672 : index
      %get3A_438 = tpu.vector_load %arg14[%get3A_437] {strides = array<i32>} : memref<768xf32, #tpu.memory_space<vmem>>, vector<16xf32>,
      %add3A_439 = arith.addf %add3A_436, %get3A_438 : vector<16xf32>
      %get3A_440 = arith.constant 48 : index
      %get3A_441 = tpu.vector_load %arg14[%get3A_440] {strides = array<i32>} : memref<768xf32, #tpu.memory_space<vmem>>, vector<16xf32>,
      %get3A_442 = arith.constant 112 : index
      %get3A_443 = tpu.vector_load %arg14[%get3A_442] {strides = array<i32>} : memref<768xf32, #tpu.memory_space<vmem>>, vector<16xf32>,
      %get3A_444 = arith.constant 176 : index
      %get3A_445 = tpu.vector_load %arg14[%get3A_444] {strides = array<i32>} : memref<768xf32, #tpu.memory_space<vmem>>, vector<16xf32>,
      %get3A_446 = arith.constant 240 : index
      %get3A_447 = tpu.vector_load %arg14[%get3A_446] {strides = array<i32>} : memref<768xf32, #tpu.memory_space<vmem>>, vector<16xf32>,
      %get3A_448 = arith.constant 304 : index
      %get3A_449 = tpu.vector_load %arg14[%get3A_448] {strides = array<i32>} : memref<768xf32, #tpu.memory_space<vmem>>, vector<16xf32>,
      %get3A_450 = arith.constant 368 : index
      %get3A_451 = tpu.vector_load %arg14[%get3A_450] {strides = array<i32>} : memref<768xf32, #tpu.memory_space<vmem>>, vector<16xf32>,
      %get3A_452 = arith.constant 432 : index
      %get3A_453 = tpu.vector_load %arg14[%get3A_452] {strides = array<i32>} : memref<768xf32, #tpu.memory_space<vmem>>, vector<16xf32>,
      %get3A_454 = arith.constant 496 : index
      %get3A_455 = tpu.vector_load %arg14[%get3A_454] {strides = array<i32>} : memref<768xf32, #tpu.memory_space<vmem>>, vector<16xf32>,
      %get3A_456 = arith.constant 560 : index
      %get3A_457 = tpu.vector_load %arg14[%get3A_456] {strides = array<i32>} : memref<768xf32, #tpu.memory_space<vmem>>, vector<16xf32>,
      %get3A_458 = arith.constant 624 : index
      %get3A_459 = tpu.vector_load %arg14[%get3A_458] {strides = array<i32>} : memref<768xf32, #tpu.memory_space<vmem>>, vector<16xf32>,
      %mul3A_460 = arith.mulf %bitcast3A_71, %get3A_441 : vector<16xf32>
      %mul3A_461 = arith.mulf %bitcast3A_98, %get3A_443 : vector<16xf32>
      %mul3A_462 = arith.mulf %bitcast3A_125, %get3A_445 : vector<16xf32>
      %mul3A_463 = arith.mulf %bitcast3A_152, %get3A_447 : vector<16xf32>
      %mul3A_464 = arith.mulf %bitcast3A_179, %get3A_449 : vector<16xf32>
      %mul3A_465 = arith.mulf %bitcast3A_206, %get3A_451 : vector<16xf32>
      %mul3A_466 = arith.mulf %bitcast3A_233, %get3A_453 : vector<16xf32>
      %mul3A_467 = arith.mulf %bitcast3A_260, %get3A_455 : vector<16xf32>
      %mul3A_468 = arith.mulf %bitcast3A_287, %get3A_457 : vector<16xf32>
      %mul3A_469 = arith.mulf %bitcast3A_314, %get3A_459 : vector<16xf32>
      %add3A_470 = arith.addf %mul3A_460, %mul3A_461 : vector<16xf32>
      %add3A_471 = arith.addf %mul3A_462, %mul3A_463 : vector<16xf32>
      %add3A_472 = arith.addf %mul3A_464, %mul3A_465 : vector<16xf32>
      %add3A_473 = arith.addf %mul3A_466, %mul3A_467 : vector<16xf32>
      %add3A_474 = arith.addf %mul3A_468, %mul3A_469 : vector<16xf32>
      %add3A_475 = arith.addf %add3A_470, %add3A_471 : vector<16xf32>
      %add3A_476 = arith.addf %add3A_472, %add3A_473 : vector<16xf32>
      %add3A_477 = arith.addf %add3A_475, %add3A_476 : vector<16xf32>
      %add3A_478 = arith.addf %add3A_477, %add3A_474 : vector<16xf32>
      %get3A_479 = arith.constant 688 : index
      %get3A_480 = tpu.vector_load %arg14[%get3A_479] {strides = array<i32>} : memref<768xf32, #tpu.memory_space<vmem>>, vector<16xf32>,
      %add3A_481 = arith.addf %add3A_478, %get3A_480 : vector<16xf32>
      %max3A_482 = arith.maximumf %add3A_355, %add3A_397 : vector<16xf32>
      %max3A_483 = arith.maximumf %add3A_439, %add3A_481 : vector<16xf32>
      %max3A_484 = arith.maximumf %max3A_482, %max3A_483 : vector<16xf32>
      %sub3A = arith.subf %add3A_355, %max3A_484 : vector<16xf32>
      %exp3A = math.exp %sub3A : vector<16xf32>
      %sub3A_485 = arith.subf %add3A_397, %max3A_484 : vector<16xf32>
      %exp3A_486 = math.exp %sub3A_485 : vector<16xf32>
      %sub3A_487 = arith.subf %add3A_439, %max3A_484 : vector<16xf32>
      %exp3A_488 = math.exp %sub3A_487 : vector<16xf32>
      %sub3A_489 = arith.subf %add3A_481, %max3A_484 : vector<16xf32>
      %exp3A_490 = math.exp %sub3A_489 : vector<16xf32>
      %add3A_491 = arith.addf %exp3A, %exp3A_486 : vector<16xf32>
      %add3A_492 = arith.addf %exp3A_488, %exp3A_490 : vector<16xf32>
      %add3A_493 = arith.addf %add3A_491, %add3A_492 : vector<16xf32>
      %div3A = arith.constant 1.000000e+00 : f32
      %div3A_494 = vector.broadcast %div3A : f32 to vector<16xf32>
      %div3A_495 = arith.divf %div3A_494, %add3A_493 : vector<16xf32>
      %mul3A_496 = arith.constant 4 : i32
      %mul3A_497 = vector.broadcast %mul3A_496 : i32 to vector<16xi32>
      %mul3A_498 = arith.muli %gather3A_40, %mul3A_497 : vector<16xi32>
      %add3A_499 = arith.addi %mul3A_17, %mul3A_498 : vector<16xi32>
      %add3A_500 = arith.constant 0 : i32
      %add3A_501 = vector.broadcast %add3A_500 : i32 to vector<16xi32>
      %add3A_502 = arith.addi %add3A_499, %add3A_501 : vector<16xi32>
      %mul3A_503 = arith.mulf %exp3A, %div3A_495 : vector<16xf32>
      tpu.vector_store_idx %arg15[%add3A_502], %mul3A_503 {add = true} : memref<65536xf32, #tpu.memory_space<vmem>>[vector<16xi32>], vector<16xf32>,
      %add3A_504 = arith.constant 1 : i32
      %add3A_505 = vector.broadcast %add3A_504 : i32 to vector<16xi32>
      %add3A_506 = arith.addi %add3A_499, %add3A_505 : vector<16xi32>
      %mul3A_507 = arith.mulf %exp3A_486, %div3A_495 : vector<16xf32>
      tpu.vector_store_idx %arg15[%add3A_506], %mul3A_507 {add = true} : memref<65536xf32, #tpu.memory_space<vmem>>[vector<16xi32>], vector<16xf32>,
      %add3A_508 = arith.constant 2 : i32
      %add3A_509 = vector.broadcast %add3A_508 : i32 to vector<16xi32>
      %add3A_510 = arith.addi %add3A_499, %add3A_509 : vector<16xi32>
      %mul3A_511 = arith.mulf %exp3A_488, %div3A_495 : vector<16xf32>
      tpu.vector_store_idx %arg15[%add3A_510], %mul3A_511 {add = true} : memref<65536xf32, #tpu.memory_space<vmem>>[vector<16xi32>], vector<16xf32>,
      %add3A_512 = arith.constant 3 : i32
      %add3A_513 = vector.broadcast %add3A_512 : i32 to vector<16xi32>
      %add3A_514 = arith.addi %add3A_499, %add3A_513 : vector<16xi32>
      %mul3A_515 = arith.mulf %exp3A_490, %div3A_495 : vector<16xf32>
      tpu.vector_store_idx %arg15[%add3A_514], %mul3A_515 {add = true} : memref<65536xf32, #tpu.memory_space<vmem>>[vector<16xi32>], vector<16xf32>,
      %mul3A_516 = arith.constant 2 : i32
      %mul3A_517 = arith.muli %scan3A_35, %mul3A_516 : i32
      %add3A_518 = arith.constant 1 : i32
      %add3A_519 = arith.addi %mul3A_517, %add3A_518 : i32
      %add3A_520 = vector.broadcast %add3A_519 : i32 to vector<16xi32>
      %add3A_521 = arith.addi %mul3A_20, %add3A_520 : vector<16xi32>
      %gather3A_522 = tpu.vector_load_idx %arg10[%add3A_521] : memref<512xi32, #tpu.memory_space<vmem>>[vector<16xi32>], vector<16xi32>,
      %gather3A_523 = tpu.vector_load_idx %arg11[%add3A_521] : memref<512xi32, #tpu.memory_space<vmem>>[vector<16xi32>], vector<16xi32>,
      %gather3A_524 = tpu.vector_load_idx %arg9[%gather3A_523] : memref<1024xi32, #tpu.memory_space<vmem>>[vector<16xi32>], vector<16xi32>,
      %mul3A_525 = arith.constant 16 : i32
      %mul3A_526 = vector.broadcast %mul3A_525 : i32 to vector<16xi32>
      %mul3A_527 = arith.muli %gather3A_524, %mul3A_526 : vector<16xi32>
      %gather3A_528 = tpu.vector_load_idx %arg9[%gather3A_522] : memref<1024xi32, #tpu.memory_space<vmem>>[vector<16xi32>], vector<16xi32>,
      %mul3A_529 = arith.constant 16 : i32
      %mul3A_530 = vector.broadcast %mul3A_529 : i32 to vector<16xi32>
      %mul3A_531 = arith.muli %gather3A_528, %mul3A_530 : vector<16xi32>
      %add3A_532 = arith.constant 0 : i32
      %add3A_533 = vector.broadcast %add3A_532 : i32 to vector<16xi32>
      %add3A_534 = arith.addi %mul3A_527, %add3A_533 : vector<16xi32>
      %gather3A_535 = tpu.vector_load_idx %arg12[%add3A_534] : memref<16384xf32, #tpu.memory_space<vmem>>[vector<16xi32>], vector<16xf32>,
      %add3A_536 = arith.constant 0 : i32
      %add3A_537 = vector.broadcast %add3A_536 : i32 to vector<16xi32>
      %add3A_538 = arith.addi %mul3A_531, %add3A_537 : vector<16xi32>
      %gather3A_539 = tpu.vector_load_idx %arg13[%add3A_538] : memref<16384xf32, #tpu.memory_space<vmem>>[vector<16xi32>], vector<16xf32>,
      %add3A_540 = arith.addf %gather3A_535, %gather3A_539 : vector<16xf32>
      %max3A_541 = arith.constant 0.000000e+00 : f32
      %max3A_542 = vector.broadcast %max3A_541 : f32 to vector<16xf32>
      %max3A_543 = arith.maximumf %add3A_540, %max3A_542 : vector<16xf32>
      %bitcast3A_544 = vector.bitcast %max3A_543 : vector<16xf32> to vector<16xi32>
      %add3A_545 = arith.constant 32767 : i32
      %add3A_546 = vector.broadcast %add3A_545 : i32 to vector<16xi32>
      %add3A_547 = arith.addi %bitcast3A_544, %add3A_546 : vector<16xi32>
      %shift_right_arithmetic3A_548 = arith.constant 16 : i32
      %shift_right_arithmetic3A_549 = vector.broadcast %shift_right_arithmetic3A_548 : i32 to vector<16xi32>
      %shift_right_arithmetic3A_550 = arith.shrsi %bitcast3A_544, %shift_right_arithmetic3A_549 : vector<16xi32>
      %and3A_551 = arith.constant 1 : i32
      %and3A_552 = vector.broadcast %and3A_551 : i32 to vector<16xi32>
      %and3A_553 = arith.andi %shift_right_arithmetic3A_550, %and3A_552 : vector<16xi32>
      %add3A_554 = arith.addi %add3A_547, %and3A_553 : vector<16xi32>
      %and3A_555 = arith.constant -65536 : i32
      %and3A_556 = vector.broadcast %and3A_555 : i32 to vector<16xi32>
      %and3A_557 = arith.andi %add3A_554, %and3A_556 : vector<16xi32>
      %bitcast3A_558 = vector.bitcast %and3A_557 : vector<16xi32> to vector<16xf32>
      %add3A_559 = arith.constant 1 : i32
      %add3A_560 = vector.broadcast %add3A_559 : i32 to vector<16xi32>
      %add3A_561 = arith.addi %mul3A_527, %add3A_560 : vector<16xi32>
      %gather3A_562 = tpu.vector_load_idx %arg12[%add3A_561] : memref<16384xf32, #tpu.memory_space<vmem>>[vector<16xi32>], vector<16xf32>,
      %add3A_563 = arith.constant 1 : i32
      %add3A_564 = vector.broadcast %add3A_563 : i32 to vector<16xi32>
      %add3A_565 = arith.addi %mul3A_531, %add3A_564 : vector<16xi32>
      %gather3A_566 = tpu.vector_load_idx %arg13[%add3A_565] : memref<16384xf32, #tpu.memory_space<vmem>>[vector<16xi32>], vector<16xf32>,
      %add3A_567 = arith.addf %gather3A_562, %gather3A_566 : vector<16xf32>
      %max3A_568 = arith.constant 0.000000e+00 : f32
      %max3A_569 = vector.broadcast %max3A_568 : f32 to vector<16xf32>
      %max3A_570 = arith.maximumf %add3A_567, %max3A_569 : vector<16xf32>
      %bitcast3A_571 = vector.bitcast %max3A_570 : vector<16xf32> to vector<16xi32>
      %add3A_572 = arith.constant 32767 : i32
      %add3A_573 = vector.broadcast %add3A_572 : i32 to vector<16xi32>
      %add3A_574 = arith.addi %bitcast3A_571, %add3A_573 : vector<16xi32>
      %shift_right_arithmetic3A_575 = arith.constant 16 : i32
      %shift_right_arithmetic3A_576 = vector.broadcast %shift_right_arithmetic3A_575 : i32 to vector<16xi32>
      %shift_right_arithmetic3A_577 = arith.shrsi %bitcast3A_571, %shift_right_arithmetic3A_576 : vector<16xi32>
      %and3A_578 = arith.constant 1 : i32
      %and3A_579 = vector.broadcast %and3A_578 : i32 to vector<16xi32>
      %and3A_580 = arith.andi %shift_right_arithmetic3A_577, %and3A_579 : vector<16xi32>
      %add3A_581 = arith.addi %add3A_574, %and3A_580 : vector<16xi32>
      %and3A_582 = arith.constant -65536 : i32
      %and3A_583 = vector.broadcast %and3A_582 : i32 to vector<16xi32>
      %and3A_584 = arith.andi %add3A_581, %and3A_583 : vector<16xi32>
      %bitcast3A_585 = vector.bitcast %and3A_584 : vector<16xi32> to vector<16xf32>
      %add3A_586 = arith.constant 2 : i32
      %add3A_587 = vector.broadcast %add3A_586 : i32 to vector<16xi32>
      %add3A_588 = arith.addi %mul3A_527, %add3A_587 : vector<16xi32>
      %gather3A_589 = tpu.vector_load_idx %arg12[%add3A_588] : memref<16384xf32, #tpu.memory_space<vmem>>[vector<16xi32>], vector<16xf32>,
      %add3A_590 = arith.constant 2 : i32
      %add3A_591 = vector.broadcast %add3A_590 : i32 to vector<16xi32>
      %add3A_592 = arith.addi %mul3A_531, %add3A_591 : vector<16xi32>
      %gather3A_593 = tpu.vector_load_idx %arg13[%add3A_592] : memref<16384xf32, #tpu.memory_space<vmem>>[vector<16xi32>], vector<16xf32>,
      %add3A_594 = arith.addf %gather3A_589, %gather3A_593 : vector<16xf32>
      %max3A_595 = arith.constant 0.000000e+00 : f32
      %max3A_596 = vector.broadcast %max3A_595 : f32 to vector<16xf32>
      %max3A_597 = arith.maximumf %add3A_594, %max3A_596 : vector<16xf32>
      %bitcast3A_598 = vector.bitcast %max3A_597 : vector<16xf32> to vector<16xi32>
      %add3A_599 = arith.constant 32767 : i32
      %add3A_600 = vector.broadcast %add3A_599 : i32 to vector<16xi32>
      %add3A_601 = arith.addi %bitcast3A_598, %add3A_600 : vector<16xi32>
      %shift_right_arithmetic3A_602 = arith.constant 16 : i32
      %shift_right_arithmetic3A_603 = vector.broadcast %shift_right_arithmetic3A_602 : i32 to vector<16xi32>
      %shift_right_arithmetic3A_604 = arith.shrsi %bitcast3A_598, %shift_right_arithmetic3A_603 : vector<16xi32>
      %and3A_605 = arith.constant 1 : i32
      %and3A_606 = vector.broadcast %and3A_605 : i32 to vector<16xi32>
      %and3A_607 = arith.andi %shift_right_arithmetic3A_604, %and3A_606 : vector<16xi32>
      %add3A_608 = arith.addi %add3A_601, %and3A_607 : vector<16xi32>
      %and3A_609 = arith.constant -65536 : i32
      %and3A_610 = vector.broadcast %and3A_609 : i32 to vector<16xi32>
      %and3A_611 = arith.andi %add3A_608, %and3A_610 : vector<16xi32>
      %bitcast3A_612 = vector.bitcast %and3A_611 : vector<16xi32> to vector<16xf32>
      %add3A_613 = arith.constant 3 : i32
      %add3A_614 = vector.broadcast %add3A_613 : i32 to vector<16xi32>
      %add3A_615 = arith.addi %mul3A_527, %add3A_614 : vector<16xi32>
      %gather3A_616 = tpu.vector_load_idx %arg12[%add3A_615] : memref<16384xf32, #tpu.memory_space<vmem>>[vector<16xi32>], vector<16xf32>,
      %add3A_617 = arith.constant 3 : i32
      %add3A_618 = vector.broadcast %add3A_617 : i32 to vector<16xi32>
      %add3A_619 = arith.addi %mul3A_531, %add3A_618 : vector<16xi32>
      %gather3A_620 = tpu.vector_load_idx %arg13[%add3A_619] : memref<16384xf32, #tpu.memory_space<vmem>>[vector<16xi32>], vector<16xf32>,
      %add3A_621 = arith.addf %gather3A_616, %gather3A_620 : vector<16xf32>
      %max3A_622 = arith.constant 0.000000e+00 : f32
      %max3A_623 = vector.broadcast %max3A_622 : f32 to vector<16xf32>
      %max3A_624 = arith.maximumf %add3A_621, %max3A_623 : vector<16xf32>
      %bitcast3A_625 = vector.bitcast %max3A_624 : vector<16xf32> to vector<16xi32>
      %add3A_626 = arith.constant 32767 : i32
      %add3A_627 = vector.broadcast %add3A_626 : i32 to vector<16xi32>
      %add3A_628 = arith.addi %bitcast3A_625, %add3A_627 : vector<16xi32>
      %shift_right_arithmetic3A_629 = arith.constant 16 : i32
      %shift_right_arithmetic3A_630 = vector.broadcast %shift_right_arithmetic3A_629 : i32 to vector<16xi32>
      %shift_right_arithmetic3A_631 = arith.shrsi %bitcast3A_625, %shift_right_arithmetic3A_630 : vector<16xi32>
      %and3A_632 = arith.constant 1 : i32
      %and3A_633 = vector.broadcast %and3A_632 : i32 to vector<16xi32>
      %and3A_634 = arith.andi %shift_right_arithmetic3A_631, %and3A_633 : vector<16xi32>
      %add3A_635 = arith.addi %add3A_628, %and3A_634 : vector<16xi32>
      %and3A_636 = arith.constant -65536 : i32
      %and3A_637 = vector.broadcast %and3A_636 : i32 to vector<16xi32>
      %and3A_638 = arith.andi %add3A_635, %and3A_637 : vector<16xi32>
      %bitcast3A_639 = vector.bitcast %and3A_638 : vector<16xi32> to vector<16xf32>
      %add3A_640 = arith.constant 4 : i32
      %add3A_641 = vector.broadcast %add3A_640 : i32 to vector<16xi32>
      %add3A_642 = arith.addi %mul3A_527, %add3A_641 : vector<16xi32>
      %gather3A_643 = tpu.vector_load_idx %arg12[%add3A_642] : memref<16384xf32, #tpu.memory_space<vmem>>[vector<16xi32>], vector<16xf32>,
      %add3A_644 = arith.constant 4 : i32
      %add3A_645 = vector.broadcast %add3A_644 : i32 to vector<16xi32>
      %add3A_646 = arith.addi %mul3A_531, %add3A_645 : vector<16xi32>
      %gather3A_647 = tpu.vector_load_idx %arg13[%add3A_646] : memref<16384xf32, #tpu.memory_space<vmem>>[vector<16xi32>], vector<16xf32>,
      %add3A_648 = arith.addf %gather3A_643, %gather3A_647 : vector<16xf32>
      %max3A_649 = arith.constant 0.000000e+00 : f32
      %max3A_650 = vector.broadcast %max3A_649 : f32 to vector<16xf32>
      %max3A_651 = arith.maximumf %add3A_648, %max3A_650 : vector<16xf32>
      %bitcast3A_652 = vector.bitcast %max3A_651 : vector<16xf32> to vector<16xi32>
      %add3A_653 = arith.constant 32767 : i32
      %add3A_654 = vector.broadcast %add3A_653 : i32 to vector<16xi32>
      %add3A_655 = arith.addi %bitcast3A_652, %add3A_654 : vector<16xi32>
      %shift_right_arithmetic3A_656 = arith.constant 16 : i32
      %shift_right_arithmetic3A_657 = vector.broadcast %shift_right_arithmetic3A_656 : i32 to vector<16xi32>
      %shift_right_arithmetic3A_658 = arith.shrsi %bitcast3A_652, %shift_right_arithmetic3A_657 : vector<16xi32>
      %and3A_659 = arith.constant 1 : i32
      %and3A_660 = vector.broadcast %and3A_659 : i32 to vector<16xi32>
      %and3A_661 = arith.andi %shift_right_arithmetic3A_658, %and3A_660 : vector<16xi32>
      %add3A_662 = arith.addi %add3A_655, %and3A_661 : vector<16xi32>
      %and3A_663 = arith.constant -65536 : i32
      %and3A_664 = vector.broadcast %and3A_663 : i32 to vector<16xi32>
      %and3A_665 = arith.andi %add3A_662, %and3A_664 : vector<16xi32>
      %bitcast3A_666 = vector.bitcast %and3A_665 : vector<16xi32> to vector<16xf32>
      %add3A_667 = arith.constant 5 : i32
      %add3A_668 = vector.broadcast %add3A_667 : i32 to vector<16xi32>
      %add3A_669 = arith.addi %mul3A_527, %add3A_668 : vector<16xi32>
      %gather3A_670 = tpu.vector_load_idx %arg12[%add3A_669] : memref<16384xf32, #tpu.memory_space<vmem>>[vector<16xi32>], vector<16xf32>,
      %add3A_671 = arith.constant 5 : i32
      %add3A_672 = vector.broadcast %add3A_671 : i32 to vector<16xi32>
      %add3A_673 = arith.addi %mul3A_531, %add3A_672 : vector<16xi32>
      %gather3A_674 = tpu.vector_load_idx %arg13[%add3A_673] : memref<16384xf32, #tpu.memory_space<vmem>>[vector<16xi32>], vector<16xf32>,
      %add3A_675 = arith.addf %gather3A_670, %gather3A_674 : vector<16xf32>
      %max3A_676 = arith.constant 0.000000e+00 : f32
      %max3A_677 = vector.broadcast %max3A_676 : f32 to vector<16xf32>
      %max3A_678 = arith.maximumf %add3A_675, %max3A_677 : vector<16xf32>
      %bitcast3A_679 = vector.bitcast %max3A_678 : vector<16xf32> to vector<16xi32>
      %add3A_680 = arith.constant 32767 : i32
      %add3A_681 = vector.broadcast %add3A_680 : i32 to vector<16xi32>
      %add3A_682 = arith.addi %bitcast3A_679, %add3A_681 : vector<16xi32>
      %shift_right_arithmetic3A_683 = arith.constant 16 : i32
      %shift_right_arithmetic3A_684 = vector.broadcast %shift_right_arithmetic3A_683 : i32 to vector<16xi32>
      %shift_right_arithmetic3A_685 = arith.shrsi %bitcast3A_679, %shift_right_arithmetic3A_684 : vector<16xi32>
      %and3A_686 = arith.constant 1 : i32
      %and3A_687 = vector.broadcast %and3A_686 : i32 to vector<16xi32>
      %and3A_688 = arith.andi %shift_right_arithmetic3A_685, %and3A_687 : vector<16xi32>
      %add3A_689 = arith.addi %add3A_682, %and3A_688 : vector<16xi32>
      %and3A_690 = arith.constant -65536 : i32
      %and3A_691 = vector.broadcast %and3A_690 : i32 to vector<16xi32>
      %and3A_692 = arith.andi %add3A_689, %and3A_691 : vector<16xi32>
      %bitcast3A_693 = vector.bitcast %and3A_692 : vector<16xi32> to vector<16xf32>
      %add3A_694 = arith.constant 6 : i32
      %add3A_695 = vector.broadcast %add3A_694 : i32 to vector<16xi32>
      %add3A_696 = arith.addi %mul3A_527, %add3A_695 : vector<16xi32>
      %gather3A_697 = tpu.vector_load_idx %arg12[%add3A_696] : memref<16384xf32, #tpu.memory_space<vmem>>[vector<16xi32>], vector<16xf32>,
      %add3A_698 = arith.constant 6 : i32
      %add3A_699 = vector.broadcast %add3A_698 : i32 to vector<16xi32>
      %add3A_700 = arith.addi %mul3A_531, %add3A_699 : vector<16xi32>
      %gather3A_701 = tpu.vector_load_idx %arg13[%add3A_700] : memref<16384xf32, #tpu.memory_space<vmem>>[vector<16xi32>], vector<16xf32>,
      %add3A_702 = arith.addf %gather3A_697, %gather3A_701 : vector<16xf32>
      %max3A_703 = arith.constant 0.000000e+00 : f32
      %max3A_704 = vector.broadcast %max3A_703 : f32 to vector<16xf32>
      %max3A_705 = arith.maximumf %add3A_702, %max3A_704 : vector<16xf32>
      %bitcast3A_706 = vector.bitcast %max3A_705 : vector<16xf32> to vector<16xi32>
      %add3A_707 = arith.constant 32767 : i32
      %add3A_708 = vector.broadcast %add3A_707 : i32 to vector<16xi32>
      %add3A_709 = arith.addi %bitcast3A_706, %add3A_708 : vector<16xi32>
      %shift_right_arithmetic3A_710 = arith.constant 16 : i32
      %shift_right_arithmetic3A_711 = vector.broadcast %shift_right_arithmetic3A_710 : i32 to vector<16xi32>
      %shift_right_arithmetic3A_712 = arith.shrsi %bitcast3A_706, %shift_right_arithmetic3A_711 : vector<16xi32>
      %and3A_713 = arith.constant 1 : i32
      %and3A_714 = vector.broadcast %and3A_713 : i32 to vector<16xi32>
      %and3A_715 = arith.andi %shift_right_arithmetic3A_712, %and3A_714 : vector<16xi32>
      %add3A_716 = arith.addi %add3A_709, %and3A_715 : vector<16xi32>
      %and3A_717 = arith.constant -65536 : i32
      %and3A_718 = vector.broadcast %and3A_717 : i32 to vector<16xi32>
      %and3A_719 = arith.andi %add3A_716, %and3A_718 : vector<16xi32>
      %bitcast3A_720 = vector.bitcast %and3A_719 : vector<16xi32> to vector<16xf32>
      %add3A_721 = arith.constant 7 : i32
      %add3A_722 = vector.broadcast %add3A_721 : i32 to vector<16xi32>
      %add3A_723 = arith.addi %mul3A_527, %add3A_722 : vector<16xi32>
      %gather3A_724 = tpu.vector_load_idx %arg12[%add3A_723] : memref<16384xf32, #tpu.memory_space<vmem>>[vector<16xi32>], vector<16xf32>,
      %add3A_725 = arith.constant 7 : i32
      %add3A_726 = vector.broadcast %add3A_725 : i32 to vector<16xi32>
      %add3A_727 = arith.addi %mul3A_531, %add3A_726 : vector<16xi32>
      %gather3A_728 = tpu.vector_load_idx %arg13[%add3A_727] : memref<16384xf32, #tpu.memory_space<vmem>>[vector<16xi32>], vector<16xf32>,
      %add3A_729 = arith.addf %gather3A_724, %gather3A_728 : vector<16xf32>
      %max3A_730 = arith.constant 0.000000e+00 : f32
      %max3A_731 = vector.broadcast %max3A_730 : f32 to vector<16xf32>
      %max3A_732 = arith.maximumf %add3A_729, %max3A_731 : vector<16xf32>
      %bitcast3A_733 = vector.bitcast %max3A_732 : vector<16xf32> to vector<16xi32>
      %add3A_734 = arith.constant 32767 : i32
      %add3A_735 = vector.broadcast %add3A_734 : i32 to vector<16xi32>
      %add3A_736 = arith.addi %bitcast3A_733, %add3A_735 : vector<16xi32>
      %shift_right_arithmetic3A_737 = arith.constant 16 : i32
      %shift_right_arithmetic3A_738 = vector.broadcast %shift_right_arithmetic3A_737 : i32 to vector<16xi32>
      %shift_right_arithmetic3A_739 = arith.shrsi %bitcast3A_733, %shift_right_arithmetic3A_738 : vector<16xi32>
      %and3A_740 = arith.constant 1 : i32
      %and3A_741 = vector.broadcast %and3A_740 : i32 to vector<16xi32>
      %and3A_742 = arith.andi %shift_right_arithmetic3A_739, %and3A_741 : vector<16xi32>
      %add3A_743 = arith.addi %add3A_736, %and3A_742 : vector<16xi32>
      %and3A_744 = arith.constant -65536 : i32
      %and3A_745 = vector.broadcast %and3A_744 : i32 to vector<16xi32>
      %and3A_746 = arith.andi %add3A_743, %and3A_745 : vector<16xi32>
      %bitcast3A_747 = vector.bitcast %and3A_746 : vector<16xi32> to vector<16xf32>
      %add3A_748 = arith.constant 8 : i32
      %add3A_749 = vector.broadcast %add3A_748 : i32 to vector<16xi32>
      %add3A_750 = arith.addi %mul3A_527, %add3A_749 : vector<16xi32>
      %gather3A_751 = tpu.vector_load_idx %arg12[%add3A_750] : memref<16384xf32, #tpu.memory_space<vmem>>[vector<16xi32>], vector<16xf32>,
      %add3A_752 = arith.constant 8 : i32
      %add3A_753 = vector.broadcast %add3A_752 : i32 to vector<16xi32>
      %add3A_754 = arith.addi %mul3A_531, %add3A_753 : vector<16xi32>
      %gather3A_755 = tpu.vector_load_idx %arg13[%add3A_754] : memref<16384xf32, #tpu.memory_space<vmem>>[vector<16xi32>], vector<16xf32>,
      %add3A_756 = arith.addf %gather3A_751, %gather3A_755 : vector<16xf32>
      %max3A_757 = arith.constant 0.000000e+00 : f32
      %max3A_758 = vector.broadcast %max3A_757 : f32 to vector<16xf32>
      %max3A_759 = arith.maximumf %add3A_756, %max3A_758 : vector<16xf32>
      %bitcast3A_760 = vector.bitcast %max3A_759 : vector<16xf32> to vector<16xi32>
      %add3A_761 = arith.constant 32767 : i32
      %add3A_762 = vector.broadcast %add3A_761 : i32 to vector<16xi32>
      %add3A_763 = arith.addi %bitcast3A_760, %add3A_762 : vector<16xi32>
      %shift_right_arithmetic3A_764 = arith.constant 16 : i32
      %shift_right_arithmetic3A_765 = vector.broadcast %shift_right_arithmetic3A_764 : i32 to vector<16xi32>
      %shift_right_arithmetic3A_766 = arith.shrsi %bitcast3A_760, %shift_right_arithmetic3A_765 : vector<16xi32>
      %and3A_767 = arith.constant 1 : i32
      %and3A_768 = vector.broadcast %and3A_767 : i32 to vector<16xi32>
      %and3A_769 = arith.andi %shift_right_arithmetic3A_766, %and3A_768 : vector<16xi32>
      %add3A_770 = arith.addi %add3A_763, %and3A_769 : vector<16xi32>
      %and3A_771 = arith.constant -65536 : i32
      %and3A_772 = vector.broadcast %and3A_771 : i32 to vector<16xi32>
      %and3A_773 = arith.andi %add3A_770, %and3A_772 : vector<16xi32>
      %bitcast3A_774 = vector.bitcast %and3A_773 : vector<16xi32> to vector<16xf32>
      %add3A_775 = arith.constant 9 : i32
      %add3A_776 = vector.broadcast %add3A_775 : i32 to vector<16xi32>
      %add3A_777 = arith.addi %mul3A_527, %add3A_776 : vector<16xi32>
      %gather3A_778 = tpu.vector_load_idx %arg12[%add3A_777] : memref<16384xf32, #tpu.memory_space<vmem>>[vector<16xi32>], vector<16xf32>,
      %add3A_779 = arith.constant 9 : i32
      %add3A_780 = vector.broadcast %add3A_779 : i32 to vector<16xi32>
      %add3A_781 = arith.addi %mul3A_531, %add3A_780 : vector<16xi32>
      %gather3A_782 = tpu.vector_load_idx %arg13[%add3A_781] : memref<16384xf32, #tpu.memory_space<vmem>>[vector<16xi32>], vector<16xf32>,
      %add3A_783 = arith.addf %gather3A_778, %gather3A_782 : vector<16xf32>
      %max3A_784 = arith.constant 0.000000e+00 : f32
      %max3A_785 = vector.broadcast %max3A_784 : f32 to vector<16xf32>
      %max3A_786 = arith.maximumf %add3A_783, %max3A_785 : vector<16xf32>
      %bitcast3A_787 = vector.bitcast %max3A_786 : vector<16xf32> to vector<16xi32>
      %add3A_788 = arith.constant 32767 : i32
      %add3A_789 = vector.broadcast %add3A_788 : i32 to vector<16xi32>
      %add3A_790 = arith.addi %bitcast3A_787, %add3A_789 : vector<16xi32>
      %shift_right_arithmetic3A_791 = arith.constant 16 : i32
      %shift_right_arithmetic3A_792 = vector.broadcast %shift_right_arithmetic3A_791 : i32 to vector<16xi32>
      %shift_right_arithmetic3A_793 = arith.shrsi %bitcast3A_787, %shift_right_arithmetic3A_792 : vector<16xi32>
      %and3A_794 = arith.constant 1 : i32
      %and3A_795 = vector.broadcast %and3A_794 : i32 to vector<16xi32>
      %and3A_796 = arith.andi %shift_right_arithmetic3A_793, %and3A_795 : vector<16xi32>
      %add3A_797 = arith.addi %add3A_790, %and3A_796 : vector<16xi32>
      %and3A_798 = arith.constant -65536 : i32
      %and3A_799 = vector.broadcast %and3A_798 : i32 to vector<16xi32>
      %and3A_800 = arith.andi %add3A_797, %and3A_799 : vector<16xi32>
      %bitcast3A_801 = vector.bitcast %and3A_800 : vector<16xi32> to vector<16xf32>
      %get3A_802 = arith.constant 0 : index
      %get3A_803 = tpu.vector_load %arg14[%get3A_802] {strides = array<i32>} : memref<768xf32, #tpu.memory_space<vmem>>, vector<16xf32>,
      %get3A_804 = arith.constant 64 : index
      %get3A_805 = tpu.vector_load %arg14[%get3A_804] {strides = array<i32>} : memref<768xf32, #tpu.memory_space<vmem>>, vector<16xf32>,
      %get3A_806 = arith.constant 128 : index
      %get3A_807 = tpu.vector_load %arg14[%get3A_806] {strides = array<i32>} : memref<768xf32, #tpu.memory_space<vmem>>, vector<16xf32>,
      %get3A_808 = arith.constant 192 : index
      %get3A_809 = tpu.vector_load %arg14[%get3A_808] {strides = array<i32>} : memref<768xf32, #tpu.memory_space<vmem>>, vector<16xf32>,
      %get3A_810 = arith.constant 256 : index
      %get3A_811 = tpu.vector_load %arg14[%get3A_810] {strides = array<i32>} : memref<768xf32, #tpu.memory_space<vmem>>, vector<16xf32>,
      %get3A_812 = arith.constant 320 : index
      %get3A_813 = tpu.vector_load %arg14[%get3A_812] {strides = array<i32>} : memref<768xf32, #tpu.memory_space<vmem>>, vector<16xf32>,
      %get3A_814 = arith.constant 384 : index
      %get3A_815 = tpu.vector_load %arg14[%get3A_814] {strides = array<i32>} : memref<768xf32, #tpu.memory_space<vmem>>, vector<16xf32>,
      %get3A_816 = arith.constant 448 : index
      %get3A_817 = tpu.vector_load %arg14[%get3A_816] {strides = array<i32>} : memref<768xf32, #tpu.memory_space<vmem>>, vector<16xf32>,
      %get3A_818 = arith.constant 512 : index
      %get3A_819 = tpu.vector_load %arg14[%get3A_818] {strides = array<i32>} : memref<768xf32, #tpu.memory_space<vmem>>, vector<16xf32>,
      %get3A_820 = arith.constant 576 : index
      %get3A_821 = tpu.vector_load %arg14[%get3A_820] {strides = array<i32>} : memref<768xf32, #tpu.memory_space<vmem>>, vector<16xf32>,
      %mul3A_822 = arith.mulf %bitcast3A_558, %get3A_803 : vector<16xf32>
      %mul3A_823 = arith.mulf %bitcast3A_585, %get3A_805 : vector<16xf32>
      %mul3A_824 = arith.mulf %bitcast3A_612, %get3A_807 : vector<16xf32>
      %mul3A_825 = arith.mulf %bitcast3A_639, %get3A_809 : vector<16xf32>
      %mul3A_826 = arith.mulf %bitcast3A_666, %get3A_811 : vector<16xf32>
      %mul3A_827 = arith.mulf %bitcast3A_693, %get3A_813 : vector<16xf32>
      %mul3A_828 = arith.mulf %bitcast3A_720, %get3A_815 : vector<16xf32>
      %mul3A_829 = arith.mulf %bitcast3A_747, %get3A_817 : vector<16xf32>
      %mul3A_830 = arith.mulf %bitcast3A_774, %get3A_819 : vector<16xf32>
      %mul3A_831 = arith.mulf %bitcast3A_801, %get3A_821 : vector<16xf32>
      %add3A_832 = arith.addf %mul3A_822, %mul3A_823 : vector<16xf32>
      %add3A_833 = arith.addf %mul3A_824, %mul3A_825 : vector<16xf32>
      %add3A_834 = arith.addf %mul3A_826, %mul3A_827 : vector<16xf32>
      %add3A_835 = arith.addf %mul3A_828, %mul3A_829 : vector<16xf32>
      %add3A_836 = arith.addf %mul3A_830, %mul3A_831 : vector<16xf32>
      %add3A_837 = arith.addf %add3A_832, %add3A_833 : vector<16xf32>
      %add3A_838 = arith.addf %add3A_834, %add3A_835 : vector<16xf32>
      %add3A_839 = arith.addf %add3A_837, %add3A_838 : vector<16xf32>
      %add3A_840 = arith.addf %add3A_839, %add3A_836 : vector<16xf32>
      %get3A_841 = arith.constant 640 : index
      %get3A_842 = tpu.vector_load %arg14[%get3A_841] {strides = array<i32>} : memref<768xf32, #tpu.memory_space<vmem>>, vector<16xf32>,
      %add3A_843 = arith.addf %add3A_840, %get3A_842 : vector<16xf32>
      %get3A_844 = arith.constant 16 : index
      %get3A_845 = tpu.vector_load %arg14[%get3A_844] {strides = array<i32>} : memref<768xf32, #tpu.memory_space<vmem>>, vector<16xf32>,
      %get3A_846 = arith.constant 80 : index
      %get3A_847 = tpu.vector_load %arg14[%get3A_846] {strides = array<i32>} : memref<768xf32, #tpu.memory_space<vmem>>, vector<16xf32>,
      %get3A_848 = arith.constant 144 : index
      %get3A_849 = tpu.vector_load %arg14[%get3A_848] {strides = array<i32>} : memref<768xf32, #tpu.memory_space<vmem>>, vector<16xf32>,
      %get3A_850 = arith.constant 208 : index
      %get3A_851 = tpu.vector_load %arg14[%get3A_850] {strides = array<i32>} : memref<768xf32, #tpu.memory_space<vmem>>, vector<16xf32>,
      %get3A_852 = arith.constant 272 : index
      %get3A_853 = tpu.vector_load %arg14[%get3A_852] {strides = array<i32>} : memref<768xf32, #tpu.memory_space<vmem>>, vector<16xf32>,
      %get3A_854 = arith.constant 336 : index
      %get3A_855 = tpu.vector_load %arg14[%get3A_854] {strides = array<i32>} : memref<768xf32, #tpu.memory_space<vmem>>, vector<16xf32>,
      %get3A_856 = arith.constant 400 : index
      %get3A_857 = tpu.vector_load %arg14[%get3A_856] {strides = array<i32>} : memref<768xf32, #tpu.memory_space<vmem>>, vector<16xf32>,
      %get3A_858 = arith.constant 464 : index
      %get3A_859 = tpu.vector_load %arg14[%get3A_858] {strides = array<i32>} : memref<768xf32, #tpu.memory_space<vmem>>, vector<16xf32>,
      %get3A_860 = arith.constant 528 : index
      %get3A_861 = tpu.vector_load %arg14[%get3A_860] {strides = array<i32>} : memref<768xf32, #tpu.memory_space<vmem>>, vector<16xf32>,
      %get3A_862 = arith.constant 592 : index
      %get3A_863 = tpu.vector_load %arg14[%get3A_862] {strides = array<i32>} : memref<768xf32, #tpu.memory_space<vmem>>, vector<16xf32>,
      %mul3A_864 = arith.mulf %bitcast3A_558, %get3A_845 : vector<16xf32>
      %mul3A_865 = arith.mulf %bitcast3A_585, %get3A_847 : vector<16xf32>
      %mul3A_866 = arith.mulf %bitcast3A_612, %get3A_849 : vector<16xf32>
      %mul3A_867 = arith.mulf %bitcast3A_639, %get3A_851 : vector<16xf32>
      %mul3A_868 = arith.mulf %bitcast3A_666, %get3A_853 : vector<16xf32>
      %mul3A_869 = arith.mulf %bitcast3A_693, %get3A_855 : vector<16xf32>
      %mul3A_870 = arith.mulf %bitcast3A_720, %get3A_857 : vector<16xf32>
      %mul3A_871 = arith.mulf %bitcast3A_747, %get3A_859 : vector<16xf32>
      %mul3A_872 = arith.mulf %bitcast3A_774, %get3A_861 : vector<16xf32>
      %mul3A_873 = arith.mulf %bitcast3A_801, %get3A_863 : vector<16xf32>
      %add3A_874 = arith.addf %mul3A_864, %mul3A_865 : vector<16xf32>
      %add3A_875 = arith.addf %mul3A_866, %mul3A_867 : vector<16xf32>
      %add3A_876 = arith.addf %mul3A_868, %mul3A_869 : vector<16xf32>
      %add3A_877 = arith.addf %mul3A_870, %mul3A_871 : vector<16xf32>
      %add3A_878 = arith.addf %mul3A_872, %mul3A_873 : vector<16xf32>
      %add3A_879 = arith.addf %add3A_874, %add3A_875 : vector<16xf32>
      %add3A_880 = arith.addf %add3A_876, %add3A_877 : vector<16xf32>
      %add3A_881 = arith.addf %add3A_879, %add3A_880 : vector<16xf32>
      %add3A_882 = arith.addf %add3A_881, %add3A_878 : vector<16xf32>
      %get3A_883 = arith.constant 656 : index
      %get3A_884 = tpu.vector_load %arg14[%get3A_883] {strides = array<i32>} : memref<768xf32, #tpu.memory_space<vmem>>, vector<16xf32>,
      %add3A_885 = arith.addf %add3A_882, %get3A_884 : vector<16xf32>
      %get3A_886 = arith.constant 32 : index
      %get3A_887 = tpu.vector_load %arg14[%get3A_886] {strides = array<i32>} : memref<768xf32, #tpu.memory_space<vmem>>, vector<16xf32>,
      %get3A_888 = arith.constant 96 : index
      %get3A_889 = tpu.vector_load %arg14[%get3A_888] {strides = array<i32>} : memref<768xf32, #tpu.memory_space<vmem>>, vector<16xf32>,
      %get3A_890 = arith.constant 160 : index
      %get3A_891 = tpu.vector_load %arg14[%get3A_890] {strides = array<i32>} : memref<768xf32, #tpu.memory_space<vmem>>, vector<16xf32>,
      %get3A_892 = arith.constant 224 : index
      %get3A_893 = tpu.vector_load %arg14[%get3A_892] {strides = array<i32>} : memref<768xf32, #tpu.memory_space<vmem>>, vector<16xf32>,
      %get3A_894 = arith.constant 288 : index
      %get3A_895 = tpu.vector_load %arg14[%get3A_894] {strides = array<i32>} : memref<768xf32, #tpu.memory_space<vmem>>, vector<16xf32>,
      %get3A_896 = arith.constant 352 : index
      %get3A_897 = tpu.vector_load %arg14[%get3A_896] {strides = array<i32>} : memref<768xf32, #tpu.memory_space<vmem>>, vector<16xf32>,
      %get3A_898 = arith.constant 416 : index
      %get3A_899 = tpu.vector_load %arg14[%get3A_898] {strides = array<i32>} : memref<768xf32, #tpu.memory_space<vmem>>, vector<16xf32>,
      %get3A_900 = arith.constant 480 : index
      %get3A_901 = tpu.vector_load %arg14[%get3A_900] {strides = array<i32>} : memref<768xf32, #tpu.memory_space<vmem>>, vector<16xf32>,
      %get3A_902 = arith.constant 544 : index
      %get3A_903 = tpu.vector_load %arg14[%get3A_902] {strides = array<i32>} : memref<768xf32, #tpu.memory_space<vmem>>, vector<16xf32>,
      %get3A_904 = arith.constant 608 : index
      %get3A_905 = tpu.vector_load %arg14[%get3A_904] {strides = array<i32>} : memref<768xf32, #tpu.memory_space<vmem>>, vector<16xf32>,
      %mul3A_906 = arith.mulf %bitcast3A_558, %get3A_887 : vector<16xf32>
      %mul3A_907 = arith.mulf %bitcast3A_585, %get3A_889 : vector<16xf32>
      %mul3A_908 = arith.mulf %bitcast3A_612, %get3A_891 : vector<16xf32>
      %mul3A_909 = arith.mulf %bitcast3A_639, %get3A_893 : vector<16xf32>
      %mul3A_910 = arith.mulf %bitcast3A_666, %get3A_895 : vector<16xf32>
      %mul3A_911 = arith.mulf %bitcast3A_693, %get3A_897 : vector<16xf32>
      %mul3A_912 = arith.mulf %bitcast3A_720, %get3A_899 : vector<16xf32>
      %mul3A_913 = arith.mulf %bitcast3A_747, %get3A_901 : vector<16xf32>
      %mul3A_914 = arith.mulf %bitcast3A_774, %get3A_903 : vector<16xf32>
      %mul3A_915 = arith.mulf %bitcast3A_801, %get3A_905 : vector<16xf32>
      %add3A_916 = arith.addf %mul3A_906, %mul3A_907 : vector<16xf32>
      %add3A_917 = arith.addf %mul3A_908, %mul3A_909 : vector<16xf32>
      %add3A_918 = arith.addf %mul3A_910, %mul3A_911 : vector<16xf32>
      %add3A_919 = arith.addf %mul3A_912, %mul3A_913 : vector<16xf32>
      %add3A_920 = arith.addf %mul3A_914, %mul3A_915 : vector<16xf32>
      %add3A_921 = arith.addf %add3A_916, %add3A_917 : vector<16xf32>
      %add3A_922 = arith.addf %add3A_918, %add3A_919 : vector<16xf32>
      %add3A_923 = arith.addf %add3A_921, %add3A_922 : vector<16xf32>
      %add3A_924 = arith.addf %add3A_923, %add3A_920 : vector<16xf32>
      %get3A_925 = arith.constant 672 : index
      %get3A_926 = tpu.vector_load %arg14[%get3A_925] {strides = array<i32>} : memref<768xf32, #tpu.memory_space<vmem>>, vector<16xf32>,
      %add3A_927 = arith.addf %add3A_924, %get3A_926 : vector<16xf32>
      %get3A_928 = arith.constant 48 : index
      %get3A_929 = tpu.vector_load %arg14[%get3A_928] {strides = array<i32>} : memref<768xf32, #tpu.memory_space<vmem>>, vector<16xf32>,
      %get3A_930 = arith.constant 112 : index
      %get3A_931 = tpu.vector_load %arg14[%get3A_930] {strides = array<i32>} : memref<768xf32, #tpu.memory_space<vmem>>, vector<16xf32>,
      %get3A_932 = arith.constant 176 : index
      %get3A_933 = tpu.vector_load %arg14[%get3A_932] {strides = array<i32>} : memref<768xf32, #tpu.memory_space<vmem>>, vector<16xf32>,
      %get3A_934 = arith.constant 240 : index
      %get3A_935 = tpu.vector_load %arg14[%get3A_934] {strides = array<i32>} : memref<768xf32, #tpu.memory_space<vmem>>, vector<16xf32>,
      %get3A_936 = arith.constant 304 : index
      %get3A_937 = tpu.vector_load %arg14[%get3A_936] {strides = array<i32>} : memref<768xf32, #tpu.memory_space<vmem>>, vector<16xf32>,
      %get3A_938 = arith.constant 368 : index
      %get3A_939 = tpu.vector_load %arg14[%get3A_938] {strides = array<i32>} : memref<768xf32, #tpu.memory_space<vmem>>, vector<16xf32>,
      %get3A_940 = arith.constant 432 : index
      %get3A_941 = tpu.vector_load %arg14[%get3A_940] {strides = array<i32>} : memref<768xf32, #tpu.memory_space<vmem>>, vector<16xf32>,
      %get3A_942 = arith.constant 496 : index
      %get3A_943 = tpu.vector_load %arg14[%get3A_942] {strides = array<i32>} : memref<768xf32, #tpu.memory_space<vmem>>, vector<16xf32>,
      %get3A_944 = arith.constant 560 : index
      %get3A_945 = tpu.vector_load %arg14[%get3A_944] {strides = array<i32>} : memref<768xf32, #tpu.memory_space<vmem>>, vector<16xf32>,
      %get3A_946 = arith.constant 624 : index
      %get3A_947 = tpu.vector_load %arg14[%get3A_946] {strides = array<i32>} : memref<768xf32, #tpu.memory_space<vmem>>, vector<16xf32>,
      %mul3A_948 = arith.mulf %bitcast3A_558, %get3A_929 : vector<16xf32>
      %mul3A_949 = arith.mulf %bitcast3A_585, %get3A_931 : vector<16xf32>
      %mul3A_950 = arith.mulf %bitcast3A_612, %get3A_933 : vector<16xf32>
      %mul3A_951 = arith.mulf %bitcast3A_639, %get3A_935 : vector<16xf32>
      %mul3A_952 = arith.mulf %bitcast3A_666, %get3A_937 : vector<16xf32>
      %mul3A_953 = arith.mulf %bitcast3A_693, %get3A_939 : vector<16xf32>
      %mul3A_954 = arith.mulf %bitcast3A_720, %get3A_941 : vector<16xf32>
      %mul3A_955 = arith.mulf %bitcast3A_747, %get3A_943 : vector<16xf32>
      %mul3A_956 = arith.mulf %bitcast3A_774, %get3A_945 : vector<16xf32>
      %mul3A_957 = arith.mulf %bitcast3A_801, %get3A_947 : vector<16xf32>
      %add3A_958 = arith.addf %mul3A_948, %mul3A_949 : vector<16xf32>
      %add3A_959 = arith.addf %mul3A_950, %mul3A_951 : vector<16xf32>
      %add3A_960 = arith.addf %mul3A_952, %mul3A_953 : vector<16xf32>
      %add3A_961 = arith.addf %mul3A_954, %mul3A_955 : vector<16xf32>
      %add3A_962 = arith.addf %mul3A_956, %mul3A_957 : vector<16xf32>
      %add3A_963 = arith.addf %add3A_958, %add3A_959 : vector<16xf32>
      %add3A_964 = arith.addf %add3A_960, %add3A_961 : vector<16xf32>
      %add3A_965 = arith.addf %add3A_963, %add3A_964 : vector<16xf32>
      %add3A_966 = arith.addf %add3A_965, %add3A_962 : vector<16xf32>
      %get3A_967 = arith.constant 688 : index
      %get3A_968 = tpu.vector_load %arg14[%get3A_967] {strides = array<i32>} : memref<768xf32, #tpu.memory_space<vmem>>, vector<16xf32>,
      %add3A_969 = arith.addf %add3A_966, %get3A_968 : vector<16xf32>
      %max3A_970 = arith.maximumf %add3A_843, %add3A_885 : vector<16xf32>
      %max3A_971 = arith.maximumf %add3A_927, %add3A_969 : vector<16xf32>
      %max3A_972 = arith.maximumf %max3A_970, %max3A_971 : vector<16xf32>
      %sub3A_973 = arith.subf %add3A_843, %max3A_972 : vector<16xf32>
      %exp3A_974 = math.exp %sub3A_973 : vector<16xf32>
      %sub3A_975 = arith.subf %add3A_885, %max3A_972 : vector<16xf32>
      %exp3A_976 = math.exp %sub3A_975 : vector<16xf32>
      %sub3A_977 = arith.subf %add3A_927, %max3A_972 : vector<16xf32>
      %exp3A_978 = math.exp %sub3A_977 : vector<16xf32>
      %sub3A_979 = arith.subf %add3A_969, %max3A_972 : vector<16xf32>
      %exp3A_980 = math.exp %sub3A_979 : vector<16xf32>
      %add3A_981 = arith.addf %exp3A_974, %exp3A_976 : vector<16xf32>
      %add3A_982 = arith.addf %exp3A_978, %exp3A_980 : vector<16xf32>
      %add3A_983 = arith.addf %add3A_981, %add3A_982 : vector<16xf32>
      %div3A_984 = arith.constant 1.000000e+00 : f32
      %div3A_985 = vector.broadcast %div3A_984 : f32 to vector<16xf32>
      %div3A_986 = arith.divf %div3A_985, %add3A_983 : vector<16xf32>
      %mul3A_987 = arith.constant 4 : i32
      %mul3A_988 = vector.broadcast %mul3A_987 : i32 to vector<16xi32>
      %mul3A_989 = arith.muli %gather3A_523, %mul3A_988 : vector<16xi32>
      %add3A_990 = arith.addi %mul3A_17, %mul3A_989 : vector<16xi32>
      %add3A_991 = arith.constant 0 : i32
      %add3A_992 = vector.broadcast %add3A_991 : i32 to vector<16xi32>
      %add3A_993 = arith.addi %add3A_990, %add3A_992 : vector<16xi32>
      %mul3A_994 = arith.mulf %exp3A_974, %div3A_986 : vector<16xf32>
      tpu.vector_store_idx %arg15[%add3A_993], %mul3A_994 {add = true} : memref<65536xf32, #tpu.memory_space<vmem>>[vector<16xi32>], vector<16xf32>,
      %add3A_995 = arith.constant 1 : i32
      %add3A_996 = vector.broadcast %add3A_995 : i32 to vector<16xi32>
      %add3A_997 = arith.addi %add3A_990, %add3A_996 : vector<16xi32>
      %mul3A_998 = arith.mulf %exp3A_976, %div3A_986 : vector<16xf32>
      tpu.vector_store_idx %arg15[%add3A_997], %mul3A_998 {add = true} : memref<65536xf32, #tpu.memory_space<vmem>>[vector<16xi32>], vector<16xf32>,
      %add3A_999 = arith.constant 2 : i32
      %add3A_1000 = vector.broadcast %add3A_999 : i32 to vector<16xi32>
      %add3A_1001 = arith.addi %add3A_990, %add3A_1000 : vector<16xi32>
      %mul3A_1002 = arith.mulf %exp3A_978, %div3A_986 : vector<16xf32>
      tpu.vector_store_idx %arg15[%add3A_1001], %mul3A_1002 {add = true} : memref<65536xf32, #tpu.memory_space<vmem>>[vector<16xi32>], vector<16xf32>,
      %add3A_1003 = arith.constant 3 : i32
      %add3A_1004 = vector.broadcast %add3A_1003 : i32 to vector<16xi32>
      %add3A_1005 = arith.addi %add3A_990, %add3A_1004 : vector<16xi32>
      %mul3A_1006 = arith.mulf %exp3A_980, %div3A_986 : vector<16xf32>
      tpu.vector_store_idx %arg15[%add3A_1005], %mul3A_1006 {add = true} : memref<65536xf32, #tpu.memory_space<vmem>>[vector<16xi32>], vector<16xf32>,
    }
    %scan3A_26 = arith.constant 16 : i32
    %scan3A_27 = arith.constant 0 : i32
    %scan3A_28 = arith.constant 0 : i32
    %scan3A_29 = arith.constant 256 : i32
    %scan3A_30 = arith.addi %scan3A_28, %scan3A_29 : i32
    %scan3A_31 = arith.constant 1 : i32
    scf.for %scan3A_35 = %scan3A_28 to %scan3A_30 step %scan3A_31  : i32 {
      %mul3A_36 = arith.constant 16 : i32
      %mul3A_37 = arith.muli %scan3A_35, %mul3A_36 : i32
      %get3A = arith.index_cast %mul3A_37 : i32 to index
      %get3A_38 = tpu.vector_load %arg15[%get3A] {strides = array<i32>} : memref<65536xf32, #tpu.memory_space<vmem>>, vector<16xf32>,
      %mul3A_39 = arith.constant 16 : i32
      %mul3A_40 = arith.muli %scan3A_35, %mul3A_39 : i32
      %add3A_41 = arith.constant 4096 : i32
      %add3A_42 = arith.addi %add3A_41, %mul3A_40 : i32
      %get3A_43 = arith.index_cast %add3A_42 : i32 to index
      %get3A_44 = tpu.vector_load %arg15[%get3A_43] {strides = array<i32>} : memref<65536xf32, #tpu.memory_space<vmem>>, vector<16xf32>,
      %add3A_45 = arith.addf %get3A_38, %get3A_44 : vector<16xf32>
      %mul3A_46 = arith.constant 16 : i32
      %mul3A_47 = arith.muli %scan3A_35, %mul3A_46 : i32
      %add3A_48 = arith.constant 8192 : i32
      %add3A_49 = arith.addi %add3A_48, %mul3A_47 : i32
      %get3A_50 = arith.index_cast %add3A_49 : i32 to index
      %get3A_51 = tpu.vector_load %arg15[%get3A_50] {strides = array<i32>} : memref<65536xf32, #tpu.memory_space<vmem>>, vector<16xf32>,
      %add3A_52 = arith.addf %add3A_45, %get3A_51 : vector<16xf32>
      %mul3A_53 = arith.constant 16 : i32
      %mul3A_54 = arith.muli %scan3A_35, %mul3A_53 : i32
      %add3A_55 = arith.constant 12288 : i32
      %add3A_56 = arith.addi %add3A_55, %mul3A_54 : i32
      %get3A_57 = arith.index_cast %add3A_56 : i32 to index
      %get3A_58 = tpu.vector_load %arg15[%get3A_57] {strides = array<i32>} : memref<65536xf32, #tpu.memory_space<vmem>>, vector<16xf32>,
      %add3A_59 = arith.addf %add3A_52, %get3A_58 : vector<16xf32>
      %mul3A_60 = arith.constant 16 : i32
      %mul3A_61 = arith.muli %scan3A_35, %mul3A_60 : i32
      %add3A_62 = arith.constant 16384 : i32
      %add3A_63 = arith.addi %add3A_62, %mul3A_61 : i32
      %get3A_64 = arith.index_cast %add3A_63 : i32 to index
      %get3A_65 = tpu.vector_load %arg15[%get3A_64] {strides = array<i32>} : memref<65536xf32, #tpu.memory_space<vmem>>, vector<16xf32>,
      %add3A_66 = arith.addf %add3A_59, %get3A_65 : vector<16xf32>
      %mul3A_67 = arith.constant 16 : i32
      %mul3A_68 = arith.muli %scan3A_35, %mul3A_67 : i32
      %add3A_69 = arith.constant 20480 : i32
      %add3A_70 = arith.addi %add3A_69, %mul3A_68 : i32
      %get3A_71 = arith.index_cast %add3A_70 : i32 to index
      %get3A_72 = tpu.vector_load %arg15[%get3A_71] {strides = array<i32>} : memref<65536xf32, #tpu.memory_space<vmem>>, vector<16xf32>,
      %add3A_73 = arith.addf %add3A_66, %get3A_72 : vector<16xf32>
      %mul3A_74 = arith.constant 16 : i32
      %mul3A_75 = arith.muli %scan3A_35, %mul3A_74 : i32
      %add3A_76 = arith.constant 24576 : i32
      %add3A_77 = arith.addi %add3A_76, %mul3A_75 : i32
      %get3A_78 = arith.index_cast %add3A_77 : i32 to index
      %get3A_79 = tpu.vector_load %arg15[%get3A_78] {strides = array<i32>} : memref<65536xf32, #tpu.memory_space<vmem>>, vector<16xf32>,
      %add3A_80 = arith.addf %add3A_73, %get3A_79 : vector<16xf32>
      %mul3A_81 = arith.constant 16 : i32
      %mul3A_82 = arith.muli %scan3A_35, %mul3A_81 : i32
      %add3A_83 = arith.constant 28672 : i32
      %add3A_84 = arith.addi %add3A_83, %mul3A_82 : i32
      %get3A_85 = arith.index_cast %add3A_84 : i32 to index
      %get3A_86 = tpu.vector_load %arg15[%get3A_85] {strides = array<i32>} : memref<65536xf32, #tpu.memory_space<vmem>>, vector<16xf32>,
      %add3A_87 = arith.addf %add3A_80, %get3A_86 : vector<16xf32>
      %mul3A_88 = arith.constant 16 : i32
      %mul3A_89 = arith.muli %scan3A_35, %mul3A_88 : i32
      %add3A_90 = arith.constant 32768 : i32
      %add3A_91 = arith.addi %add3A_90, %mul3A_89 : i32
      %get3A_92 = arith.index_cast %add3A_91 : i32 to index
      %get3A_93 = tpu.vector_load %arg15[%get3A_92] {strides = array<i32>} : memref<65536xf32, #tpu.memory_space<vmem>>, vector<16xf32>,
      %add3A_94 = arith.addf %add3A_87, %get3A_93 : vector<16xf32>
      %mul3A_95 = arith.constant 16 : i32
      %mul3A_96 = arith.muli %scan3A_35, %mul3A_95 : i32
      %add3A_97 = arith.constant 36864 : i32
      %add3A_98 = arith.addi %add3A_97, %mul3A_96 : i32
      %get3A_99 = arith.index_cast %add3A_98 : i32 to index
      %get3A_100 = tpu.vector_load %arg15[%get3A_99] {strides = array<i32>} : memref<65536xf32, #tpu.memory_space<vmem>>, vector<16xf32>,
      %add3A_101 = arith.addf %add3A_94, %get3A_100 : vector<16xf32>
      %mul3A_102 = arith.constant 16 : i32
      %mul3A_103 = arith.muli %scan3A_35, %mul3A_102 : i32
      %add3A_104 = arith.constant 40960 : i32
      %add3A_105 = arith.addi %add3A_104, %mul3A_103 : i32
      %get3A_106 = arith.index_cast %add3A_105 : i32 to index
      %get3A_107 = tpu.vector_load %arg15[%get3A_106] {strides = array<i32>} : memref<65536xf32, #tpu.memory_space<vmem>>, vector<16xf32>,
      %add3A_108 = arith.addf %add3A_101, %get3A_107 : vector<16xf32>
      %mul3A_109 = arith.constant 16 : i32
      %mul3A_110 = arith.muli %scan3A_35, %mul3A_109 : i32
      %add3A_111 = arith.constant 45056 : i32
      %add3A_112 = arith.addi %add3A_111, %mul3A_110 : i32
      %get3A_113 = arith.index_cast %add3A_112 : i32 to index
      %get3A_114 = tpu.vector_load %arg15[%get3A_113] {strides = array<i32>} : memref<65536xf32, #tpu.memory_space<vmem>>, vector<16xf32>,
      %add3A_115 = arith.addf %add3A_108, %get3A_114 : vector<16xf32>
      %mul3A_116 = arith.constant 16 : i32
      %mul3A_117 = arith.muli %scan3A_35, %mul3A_116 : i32
      %add3A_118 = arith.constant 49152 : i32
      %add3A_119 = arith.addi %add3A_118, %mul3A_117 : i32
      %get3A_120 = arith.index_cast %add3A_119 : i32 to index
      %get3A_121 = tpu.vector_load %arg15[%get3A_120] {strides = array<i32>} : memref<65536xf32, #tpu.memory_space<vmem>>, vector<16xf32>,
      %add3A_122 = arith.addf %add3A_115, %get3A_121 : vector<16xf32>
      %mul3A_123 = arith.constant 16 : i32
      %mul3A_124 = arith.muli %scan3A_35, %mul3A_123 : i32
      %add3A_125 = arith.constant 53248 : i32
      %add3A_126 = arith.addi %add3A_125, %mul3A_124 : i32
      %get3A_127 = arith.index_cast %add3A_126 : i32 to index
      %get3A_128 = tpu.vector_load %arg15[%get3A_127] {strides = array<i32>} : memref<65536xf32, #tpu.memory_space<vmem>>, vector<16xf32>,
      %add3A_129 = arith.addf %add3A_122, %get3A_128 : vector<16xf32>
      %mul3A_130 = arith.constant 16 : i32
      %mul3A_131 = arith.muli %scan3A_35, %mul3A_130 : i32
      %add3A_132 = arith.constant 57344 : i32
      %add3A_133 = arith.addi %add3A_132, %mul3A_131 : i32
      %get3A_134 = arith.index_cast %add3A_133 : i32 to index
      %get3A_135 = tpu.vector_load %arg15[%get3A_134] {strides = array<i32>} : memref<65536xf32, #tpu.memory_space<vmem>>, vector<16xf32>,
      %add3A_136 = arith.addf %add3A_129, %get3A_135 : vector<16xf32>
      %mul3A_137 = arith.constant 16 : i32
      %mul3A_138 = arith.muli %scan3A_35, %mul3A_137 : i32
      %add3A_139 = arith.constant 61440 : i32
      %add3A_140 = arith.addi %add3A_139, %mul3A_138 : i32
      %get3A_141 = arith.index_cast %add3A_140 : i32 to index
      %get3A_142 = tpu.vector_load %arg15[%get3A_141] {strides = array<i32>} : memref<65536xf32, #tpu.memory_space<vmem>>, vector<16xf32>,
      %add3A_143 = arith.addf %add3A_136, %get3A_142 : vector<16xf32>
      %mul3A_144 = arith.constant 16 : i32
      %mul3A_145 = arith.muli %scan3A_35, %mul3A_144 : i32
      %swap3A = arith.index_cast %mul3A_145 : i32 to index
      %swap3A_146 = tpu.vector_load %arg16[%swap3A] {strides = array<i32>} : memref<4096xf32, #tpu.memory_space<vmem>>, vector<16xf32>,
      tpu.vector_store %arg16[%swap3A], %add3A_143 {strides = array<i32>} : memref<4096xf32, #tpu.memory_space<vmem>>, vector<16xf32>,
    }
    %scan3A_32 = arith.constant 256 : i32
    %mul3A_33 = arith.constant 4096 : i32
    %mul3A_34 = arith.muli %add3A, %mul3A_33 : i32
    "tpu.region"() ({
      %run_scoped3A = tpu.sem_alloc : memref<!tpu.dma_semaphore, #tpu.memory_space<semaphore_mem>>
      %dma_start3A_35 = tpu.memref_slice %arg8[%mul3A_34] : memref<131072xf32, #tpu.memory_space<hbm>> -> memref<4096xf32, #tpu.memory_space<hbm>>
      %dma_start3A_36 = tpu.memref_slice %arg8[%mul3A_34] : memref<131072xf32, #tpu.memory_space<hbm>> -> memref<4096xf32, #tpu.memory_space<hbm>>
      tpu.enqueue_dma source(%arg16 : memref<4096xf32, #tpu.memory_space<vmem>>) target(%dma_start3A_36 : memref<4096xf32, #tpu.memory_space<hbm>>) target_semaphore(%run_scoped3A : memref<!tpu.dma_semaphore, #tpu.memory_space<semaphore_mem>>)
      %dma_wait3A_37 = tpu.memref_slice %arg8[%mul3A_34] : memref<131072xf32, #tpu.memory_space<hbm>> -> memref<4096xf32, #tpu.memory_space<hbm>>
      %dma_wait3A_38 = tpu.memref_slice %arg8[%mul3A_34] : memref<131072xf32, #tpu.memory_space<hbm>> -> memref<4096xf32, #tpu.memory_space<hbm>>
      tpu.wait_dma2 semaphore(%run_scoped3A : memref<!tpu.dma_semaphore, #tpu.memory_space<semaphore_mem>>) src(%arg16 : memref<4096xf32, #tpu.memory_space<vmem>>) dst(%dma_wait3A_38 : memref<4096xf32, #tpu.memory_space<hbm>>)
      tpu.yield
    }) : () -> ()
    return
  }
}

module attributes {stable_mosaic.version = 14 : i64} {
  func.func @body(%arg0: i32, %arg1: memref<32x4096xf32, #tpu.memory_space<vmem>>, %arg2: memref<4096x512xf32, #tpu.memory_space<vmem>>, %arg3: memref<1x512xf32, #tpu.memory_space<vmem>>, %arg4: memref<4096x64xf32, #tpu.memory_space<vmem>>, %arg5: memref<1x64xf32, #tpu.memory_space<vmem>>, %arg6: memref<64x32xf32, #tpu.memory_space<vmem>>, %arg7: memref<1x32xf32, #tpu.memory_space<vmem>>, %arg8: memref<32x16xf32, #tpu.memory_space<vmem>>, %arg9: memref<1x16xf32, #tpu.memory_space<vmem>>, %arg10: memref<1x16xf32, #tpu.memory_space<vmem>>, %arg11: memref<1x1xf32, #tpu.memory_space<vmem>>, %arg12: memref<1x16384xf32, #tpu.memory_space<vmem>>, %arg13: memref<1x1xf32, #tpu.memory_space<vmem>>, %arg14: memref<1x4096xbf16, #tpu.memory_space<vmem>>) attributes {dimension_semantics = [#tpu.dimension_semantics<arbitrary>], iteration_bounds = array<i64: 32>, scalar_prefetch = 0 : i64, scratch_operands = 1 : i64, tpu.core_type = #tpu.core_type<tc>, window_params = [{pipeline_mode = #tpu.pipeline_mode<synchronous>, transform_indices = @transform_0, window_bounds = array<i64: 32, 4096>}, {transform_indices = @transform_1, window_bounds = array<i64: 4096, 512>}, {transform_indices = @transform_2, window_bounds = array<i64: 1, 512>}, {pipeline_mode = #tpu.pipeline_mode<synchronous>, transform_indices = @transform_3, window_bounds = array<i64: 4096, 64>}, {pipeline_mode = #tpu.pipeline_mode<synchronous>, transform_indices = @transform_4, window_bounds = array<i64: 1, 64>}, {pipeline_mode = #tpu.pipeline_mode<synchronous>, transform_indices = @transform_5, window_bounds = array<i64: 64, 32>}, {pipeline_mode = #tpu.pipeline_mode<synchronous>, transform_indices = @transform_6, window_bounds = array<i64: 1, 32>}, {pipeline_mode = #tpu.pipeline_mode<synchronous>, transform_indices = @transform_7, window_bounds = array<i64: 32, 16>}, {pipeline_mode = #tpu.pipeline_mode<synchronous>, transform_indices = @transform_8, window_bounds = array<i64: 1, 16>}, {pipeline_mode = #tpu.pipeline_mode<synchronous>, transform_indices = @transform_9, window_bounds = array<i64: 1, 16>}, {pipeline_mode = #tpu.pipeline_mode<synchronous>, transform_indices = @transform_10, window_bounds = array<i64: 1, 1>}, {pipeline_mode = #tpu.pipeline_mode<synchronous>, transform_indices = @transform_11, window_bounds = array<i64: 1, 16384>}, {pipeline_mode = #tpu.pipeline_mode<synchronous>, transform_indices = @transform_12, window_bounds = array<i64: 1, 1>}]} {
    %eq3A = arith.constant 0 : i32
    %eq3A_0 = arith.cmpi eq, %arg0, %eq3A : i32
    %convert_element_type3A = arith.extui %eq3A_0 : i1 to i32
    %cond3A = arith.constant 0 : i32
    %cond3A_1 = arith.cmpi ne, %convert_element_type3A, %cond3A : i32
    scf.if %cond3A_1 {
      %get3A_20 = arith.constant 0 : index
      %get3A_21 = arith.constant 0 : index
      %get3A_22 = vector.load %arg1[%get3A_20, %get3A_21] : memref<32x4096xf32, #tpu.memory_space<vmem>>, vector<32x4096xf32>
      %slice3A = vector.extract_strided_slice %get3A_22 {offsets = [0, 0], sizes = [1, 4096], strides = [1, 1]} : vector<32x4096xf32> to vector<1x4096xf32>
      %slice3A_23 = vector.extract_strided_slice %get3A_22 {offsets = [1, 0], sizes = [1, 4096], strides = [1, 1]} : vector<32x4096xf32> to vector<1x4096xf32>
      %add3A_24 = arith.addf %slice3A, %slice3A_23 : vector<1x4096xf32>
      %slice3A_25 = vector.extract_strided_slice %get3A_22 {offsets = [2, 0], sizes = [1, 4096], strides = [1, 1]} : vector<32x4096xf32> to vector<1x4096xf32>
      %add3A_26 = arith.addf %add3A_24, %slice3A_25 : vector<1x4096xf32>
      %slice3A_27 = vector.extract_strided_slice %get3A_22 {offsets = [3, 0], sizes = [1, 4096], strides = [1, 1]} : vector<32x4096xf32> to vector<1x4096xf32>
      %add3A_28 = arith.addf %add3A_26, %slice3A_27 : vector<1x4096xf32>
      %slice3A_29 = vector.extract_strided_slice %get3A_22 {offsets = [4, 0], sizes = [1, 4096], strides = [1, 1]} : vector<32x4096xf32> to vector<1x4096xf32>
      %add3A_30 = arith.addf %add3A_28, %slice3A_29 : vector<1x4096xf32>
      %slice3A_31 = vector.extract_strided_slice %get3A_22 {offsets = [5, 0], sizes = [1, 4096], strides = [1, 1]} : vector<32x4096xf32> to vector<1x4096xf32>
      %add3A_32 = arith.addf %add3A_30, %slice3A_31 : vector<1x4096xf32>
      %slice3A_33 = vector.extract_strided_slice %get3A_22 {offsets = [6, 0], sizes = [1, 4096], strides = [1, 1]} : vector<32x4096xf32> to vector<1x4096xf32>
      %add3A_34 = arith.addf %add3A_32, %slice3A_33 : vector<1x4096xf32>
      %slice3A_35 = vector.extract_strided_slice %get3A_22 {offsets = [7, 0], sizes = [1, 4096], strides = [1, 1]} : vector<32x4096xf32> to vector<1x4096xf32>
      %add3A_36 = arith.addf %add3A_34, %slice3A_35 : vector<1x4096xf32>
      %slice3A_37 = vector.extract_strided_slice %get3A_22 {offsets = [8, 0], sizes = [1, 4096], strides = [1, 1]} : vector<32x4096xf32> to vector<1x4096xf32>
      %add3A_38 = arith.addf %add3A_36, %slice3A_37 : vector<1x4096xf32>
      %slice3A_39 = vector.extract_strided_slice %get3A_22 {offsets = [9, 0], sizes = [1, 4096], strides = [1, 1]} : vector<32x4096xf32> to vector<1x4096xf32>
      %add3A_40 = arith.addf %add3A_38, %slice3A_39 : vector<1x4096xf32>
      %slice3A_41 = vector.extract_strided_slice %get3A_22 {offsets = [10, 0], sizes = [1, 4096], strides = [1, 1]} : vector<32x4096xf32> to vector<1x4096xf32>
      %add3A_42 = arith.addf %add3A_40, %slice3A_41 : vector<1x4096xf32>
      %slice3A_43 = vector.extract_strided_slice %get3A_22 {offsets = [11, 0], sizes = [1, 4096], strides = [1, 1]} : vector<32x4096xf32> to vector<1x4096xf32>
      %add3A_44 = arith.addf %add3A_42, %slice3A_43 : vector<1x4096xf32>
      %slice3A_45 = vector.extract_strided_slice %get3A_22 {offsets = [12, 0], sizes = [1, 4096], strides = [1, 1]} : vector<32x4096xf32> to vector<1x4096xf32>
      %add3A_46 = arith.addf %add3A_44, %slice3A_45 : vector<1x4096xf32>
      %slice3A_47 = vector.extract_strided_slice %get3A_22 {offsets = [13, 0], sizes = [1, 4096], strides = [1, 1]} : vector<32x4096xf32> to vector<1x4096xf32>
      %add3A_48 = arith.addf %add3A_46, %slice3A_47 : vector<1x4096xf32>
      %slice3A_49 = vector.extract_strided_slice %get3A_22 {offsets = [14, 0], sizes = [1, 4096], strides = [1, 1]} : vector<32x4096xf32> to vector<1x4096xf32>
      %add3A_50 = arith.addf %add3A_48, %slice3A_49 : vector<1x4096xf32>
      %slice3A_51 = vector.extract_strided_slice %get3A_22 {offsets = [15, 0], sizes = [1, 4096], strides = [1, 1]} : vector<32x4096xf32> to vector<1x4096xf32>
      %add3A_52 = arith.addf %add3A_50, %slice3A_51 : vector<1x4096xf32>
      %slice3A_53 = vector.extract_strided_slice %get3A_22 {offsets = [16, 0], sizes = [1, 4096], strides = [1, 1]} : vector<32x4096xf32> to vector<1x4096xf32>
      %add3A_54 = arith.addf %add3A_52, %slice3A_53 : vector<1x4096xf32>
      %slice3A_55 = vector.extract_strided_slice %get3A_22 {offsets = [17, 0], sizes = [1, 4096], strides = [1, 1]} : vector<32x4096xf32> to vector<1x4096xf32>
      %add3A_56 = arith.addf %add3A_54, %slice3A_55 : vector<1x4096xf32>
      %slice3A_57 = vector.extract_strided_slice %get3A_22 {offsets = [18, 0], sizes = [1, 4096], strides = [1, 1]} : vector<32x4096xf32> to vector<1x4096xf32>
      %add3A_58 = arith.addf %add3A_56, %slice3A_57 : vector<1x4096xf32>
      %slice3A_59 = vector.extract_strided_slice %get3A_22 {offsets = [19, 0], sizes = [1, 4096], strides = [1, 1]} : vector<32x4096xf32> to vector<1x4096xf32>
      %add3A_60 = arith.addf %add3A_58, %slice3A_59 : vector<1x4096xf32>
      %slice3A_61 = vector.extract_strided_slice %get3A_22 {offsets = [20, 0], sizes = [1, 4096], strides = [1, 1]} : vector<32x4096xf32> to vector<1x4096xf32>
      %add3A_62 = arith.addf %add3A_60, %slice3A_61 : vector<1x4096xf32>
      %slice3A_63 = vector.extract_strided_slice %get3A_22 {offsets = [21, 0], sizes = [1, 4096], strides = [1, 1]} : vector<32x4096xf32> to vector<1x4096xf32>
      %add3A_64 = arith.addf %add3A_62, %slice3A_63 : vector<1x4096xf32>
      %slice3A_65 = vector.extract_strided_slice %get3A_22 {offsets = [22, 0], sizes = [1, 4096], strides = [1, 1]} : vector<32x4096xf32> to vector<1x4096xf32>
      %add3A_66 = arith.addf %add3A_64, %slice3A_65 : vector<1x4096xf32>
      %slice3A_67 = vector.extract_strided_slice %get3A_22 {offsets = [23, 0], sizes = [1, 4096], strides = [1, 1]} : vector<32x4096xf32> to vector<1x4096xf32>
      %add3A_68 = arith.addf %add3A_66, %slice3A_67 : vector<1x4096xf32>
      %slice3A_69 = vector.extract_strided_slice %get3A_22 {offsets = [24, 0], sizes = [1, 4096], strides = [1, 1]} : vector<32x4096xf32> to vector<1x4096xf32>
      %add3A_70 = arith.addf %add3A_68, %slice3A_69 : vector<1x4096xf32>
      %slice3A_71 = vector.extract_strided_slice %get3A_22 {offsets = [25, 0], sizes = [1, 4096], strides = [1, 1]} : vector<32x4096xf32> to vector<1x4096xf32>
      %add3A_72 = arith.addf %add3A_70, %slice3A_71 : vector<1x4096xf32>
      %slice3A_73 = vector.extract_strided_slice %get3A_22 {offsets = [26, 0], sizes = [1, 4096], strides = [1, 1]} : vector<32x4096xf32> to vector<1x4096xf32>
      %add3A_74 = arith.addf %add3A_72, %slice3A_73 : vector<1x4096xf32>
      %slice3A_75 = vector.extract_strided_slice %get3A_22 {offsets = [27, 0], sizes = [1, 4096], strides = [1, 1]} : vector<32x4096xf32> to vector<1x4096xf32>
      %add3A_76 = arith.addf %add3A_74, %slice3A_75 : vector<1x4096xf32>
      %slice3A_77 = vector.extract_strided_slice %get3A_22 {offsets = [28, 0], sizes = [1, 4096], strides = [1, 1]} : vector<32x4096xf32> to vector<1x4096xf32>
      %add3A_78 = arith.addf %add3A_76, %slice3A_77 : vector<1x4096xf32>
      %slice3A_79 = vector.extract_strided_slice %get3A_22 {offsets = [29, 0], sizes = [1, 4096], strides = [1, 1]} : vector<32x4096xf32> to vector<1x4096xf32>
      %add3A_80 = arith.addf %add3A_78, %slice3A_79 : vector<1x4096xf32>
      %slice3A_81 = vector.extract_strided_slice %get3A_22 {offsets = [30, 0], sizes = [1, 4096], strides = [1, 1]} : vector<32x4096xf32> to vector<1x4096xf32>
      %add3A_82 = arith.addf %add3A_80, %slice3A_81 : vector<1x4096xf32>
      %slice3A_83 = vector.extract_strided_slice %get3A_22 {offsets = [31, 0], sizes = [1, 4096], strides = [1, 1]} : vector<32x4096xf32> to vector<1x4096xf32>
      %add3A_84 = arith.addf %add3A_82, %slice3A_83 : vector<1x4096xf32>
      %convert_element_type3A_85 = arith.truncf %add3A_84 : vector<1x4096xf32> to vector<1x4096xbf16>
      %swap3A_86 = arith.constant 0 : index
      %swap3A_87 = arith.constant 0 : index
      %swap3A_88 = vector.load %arg14[%swap3A_86, %swap3A_87] : memref<1x4096xbf16, #tpu.memory_space<vmem>>, vector<1x4096xbf16>
      tpu.vector_store %arg14[%swap3A_86, %swap3A_87], %convert_element_type3A_85 {strides = array<i32>} : memref<1x4096xbf16, #tpu.memory_space<vmem>>, vector<1x4096xbf16>,
      %convert_element_type3A_89 = arith.truncf %add3A_84 : vector<1x4096xf32> to vector<1x4096xbf16>
      %get3A_90 = arith.constant 0 : index
      %get3A_91 = arith.constant 0 : index
      %get3A_92 = vector.load %arg4[%get3A_90, %get3A_91] : memref<4096x64xf32, #tpu.memory_space<vmem>>, vector<4096x64xf32>
      %convert_element_type3A_93 = arith.truncf %get3A_92 : vector<4096x64xf32> to vector<4096x64xbf16>
      %dot_general3A_94 = arith.constant dense<0.000000e+00> : vector<1x64xf32>
      %dot_general3A_95 = tpu.matmul %convert_element_type3A_89, %convert_element_type3A_93, %dot_general3A_94 {dimension_numbers = #tpu.dot_dimension_numbers<[1], [0], [0], [1], [0, 0, 1, 1], [], []>, transpose_lhs_hint = false} : vector<1x4096xbf16>, vector<4096x64xbf16>, vector<1x64xf32> -> vector<1x64xf32>
      %get3A_96 = arith.constant 0 : index
      %get3A_97 = arith.constant 0 : index
      %get3A_98 = vector.load %arg5[%get3A_96, %get3A_97] : memref<1x64xf32, #tpu.memory_space<vmem>>, vector<1x64xf32>
      %add3A_99 = arith.addf %dot_general3A_95, %get3A_98 : vector<1x64xf32>
      %max3A = arith.constant 0.000000e+00 : f32
      %max3A_100 = vector.broadcast %max3A : f32 to vector<1x64xf32>
      %max3A_101 = arith.maximumf %add3A_99, %max3A_100 : vector<1x64xf32>
      %convert_element_type3A_102 = arith.truncf %max3A_101 : vector<1x64xf32> to vector<1x64xbf16>
      %get3A_103 = arith.constant 0 : index
      %get3A_104 = arith.constant 0 : index
      %get3A_105 = vector.load %arg6[%get3A_103, %get3A_104] : memref<64x32xf32, #tpu.memory_space<vmem>>, vector<64x32xf32>
      %convert_element_type3A_106 = arith.truncf %get3A_105 : vector<64x32xf32> to vector<64x32xbf16>
      %dot_general3A_107 = arith.constant dense<0.000000e+00> : vector<1x32xf32>
      %dot_general3A_108 = tpu.matmul %convert_element_type3A_102, %convert_element_type3A_106, %dot_general3A_107 {dimension_numbers = #tpu.dot_dimension_numbers<[1], [0], [0], [1], [0, 0, 1, 1], [], []>, transpose_lhs_hint = false} : vector<1x64xbf16>, vector<64x32xbf16>, vector<1x32xf32> -> vector<1x32xf32>
      %get3A_109 = arith.constant 0 : index
      %get3A_110 = arith.constant 0 : index
      %get3A_111 = vector.load %arg7[%get3A_109, %get3A_110] : memref<1x32xf32, #tpu.memory_space<vmem>>, vector<1x32xf32>
      %add3A_112 = arith.addf %dot_general3A_108, %get3A_111 : vector<1x32xf32>
      %max3A_113 = arith.constant 0.000000e+00 : f32
      %max3A_114 = vector.broadcast %max3A_113 : f32 to vector<1x32xf32>
      %max3A_115 = arith.maximumf %add3A_112, %max3A_114 : vector<1x32xf32>
      %convert_element_type3A_116 = arith.truncf %max3A_115 : vector<1x32xf32> to vector<1x32xbf16>
      %get3A_117 = arith.constant 0 : index
      %get3A_118 = arith.constant 0 : index
      %get3A_119 = vector.load %arg8[%get3A_117, %get3A_118] : memref<32x16xf32, #tpu.memory_space<vmem>>, vector<32x16xf32>
      %convert_element_type3A_120 = arith.truncf %get3A_119 : vector<32x16xf32> to vector<32x16xbf16>
      %dot_general3A_121 = arith.constant dense<0.000000e+00> : vector<1x16xf32>
      %dot_general3A_122 = tpu.matmul %convert_element_type3A_116, %convert_element_type3A_120, %dot_general3A_121 {dimension_numbers = #tpu.dot_dimension_numbers<[1], [0], [0], [1], [0, 0, 1, 1], [], []>, transpose_lhs_hint = false} : vector<1x32xbf16>, vector<32x16xbf16>, vector<1x16xf32> -> vector<1x16xf32>
      %get3A_123 = arith.constant 0 : index
      %get3A_124 = arith.constant 0 : index
      %get3A_125 = vector.load %arg9[%get3A_123, %get3A_124] : memref<1x16xf32, #tpu.memory_space<vmem>>, vector<1x16xf32>
      %add3A_126 = arith.addf %dot_general3A_122, %get3A_125 : vector<1x16xf32>
      %max3A_127 = arith.constant 0.000000e+00 : f32
      %max3A_128 = vector.broadcast %max3A_127 : f32 to vector<1x16xf32>
      %max3A_129 = arith.maximumf %add3A_126, %max3A_128 : vector<1x16xf32>
      %get3A_130 = arith.constant 0 : index
      %get3A_131 = arith.constant 0 : index
      %get3A_132 = vector.load %arg10[%get3A_130, %get3A_131] : memref<1x16xf32, #tpu.memory_space<vmem>>, vector<1x16xf32>
      %mul3A_133 = arith.mulf %max3A_129, %get3A_132 : vector<1x16xf32>
      %slice3A_134 = vector.extract_strided_slice %mul3A_133 {offsets = [0, 0], sizes = [1, 1], strides = [1, 1]} : vector<1x16xf32> to vector<1x1xf32>
      %slice3A_135 = vector.extract_strided_slice %mul3A_133 {offsets = [0, 1], sizes = [1, 1], strides = [1, 1]} : vector<1x16xf32> to vector<1x1xf32>
      %slice3A_136 = vector.extract_strided_slice %mul3A_133 {offsets = [0, 2], sizes = [1, 1], strides = [1, 1]} : vector<1x16xf32> to vector<1x1xf32>
      %slice3A_137 = vector.extract_strided_slice %mul3A_133 {offsets = [0, 3], sizes = [1, 1], strides = [1, 1]} : vector<1x16xf32> to vector<1x1xf32>
      %slice3A_138 = vector.extract_strided_slice %mul3A_133 {offsets = [0, 4], sizes = [1, 1], strides = [1, 1]} : vector<1x16xf32> to vector<1x1xf32>
      %slice3A_139 = vector.extract_strided_slice %mul3A_133 {offsets = [0, 5], sizes = [1, 1], strides = [1, 1]} : vector<1x16xf32> to vector<1x1xf32>
      %slice3A_140 = vector.extract_strided_slice %mul3A_133 {offsets = [0, 6], sizes = [1, 1], strides = [1, 1]} : vector<1x16xf32> to vector<1x1xf32>
      %slice3A_141 = vector.extract_strided_slice %mul3A_133 {offsets = [0, 7], sizes = [1, 1], strides = [1, 1]} : vector<1x16xf32> to vector<1x1xf32>
      %slice3A_142 = vector.extract_strided_slice %mul3A_133 {offsets = [0, 8], sizes = [1, 1], strides = [1, 1]} : vector<1x16xf32> to vector<1x1xf32>
      %slice3A_143 = vector.extract_strided_slice %mul3A_133 {offsets = [0, 9], sizes = [1, 1], strides = [1, 1]} : vector<1x16xf32> to vector<1x1xf32>
      %slice3A_144 = vector.extract_strided_slice %mul3A_133 {offsets = [0, 10], sizes = [1, 1], strides = [1, 1]} : vector<1x16xf32> to vector<1x1xf32>
      %slice3A_145 = vector.extract_strided_slice %mul3A_133 {offsets = [0, 11], sizes = [1, 1], strides = [1, 1]} : vector<1x16xf32> to vector<1x1xf32>
      %slice3A_146 = vector.extract_strided_slice %mul3A_133 {offsets = [0, 12], sizes = [1, 1], strides = [1, 1]} : vector<1x16xf32> to vector<1x1xf32>
      %slice3A_147 = vector.extract_strided_slice %mul3A_133 {offsets = [0, 13], sizes = [1, 1], strides = [1, 1]} : vector<1x16xf32> to vector<1x1xf32>
      %slice3A_148 = vector.extract_strided_slice %mul3A_133 {offsets = [0, 14], sizes = [1, 1], strides = [1, 1]} : vector<1x16xf32> to vector<1x1xf32>
      %slice3A_149 = vector.extract_strided_slice %mul3A_133 {offsets = [0, 15], sizes = [1, 1], strides = [1, 1]} : vector<1x16xf32> to vector<1x1xf32>
      %add3A_150 = arith.addf %slice3A_134, %slice3A_135 : vector<1x1xf32>
      %add3A_151 = arith.addf %slice3A_136, %slice3A_137 : vector<1x1xf32>
      %add3A_152 = arith.addf %slice3A_138, %slice3A_139 : vector<1x1xf32>
      %add3A_153 = arith.addf %slice3A_140, %slice3A_141 : vector<1x1xf32>
      %add3A_154 = arith.addf %slice3A_142, %slice3A_143 : vector<1x1xf32>
      %add3A_155 = arith.addf %slice3A_144, %slice3A_145 : vector<1x1xf32>
      %add3A_156 = arith.addf %slice3A_146, %slice3A_147 : vector<1x1xf32>
      %add3A_157 = arith.addf %slice3A_148, %slice3A_149 : vector<1x1xf32>
      %add3A_158 = arith.addf %add3A_150, %add3A_151 : vector<1x1xf32>
      %add3A_159 = arith.addf %add3A_152, %add3A_153 : vector<1x1xf32>
      %add3A_160 = arith.addf %add3A_154, %add3A_155 : vector<1x1xf32>
      %add3A_161 = arith.addf %add3A_156, %add3A_157 : vector<1x1xf32>
      %add3A_162 = arith.addf %add3A_158, %add3A_159 : vector<1x1xf32>
      %add3A_163 = arith.addf %add3A_160, %add3A_161 : vector<1x1xf32>
      %add3A_164 = arith.addf %add3A_162, %add3A_163 : vector<1x1xf32>
      %get3A_165 = arith.constant 0 : index
      %get3A_166 = arith.constant 0 : index
      %get3A_167 = vector.load %arg11[%get3A_165, %get3A_166] : memref<1x1xf32, #tpu.memory_space<vmem>>, vector<1x1xf32>
      %add3A_168 = arith.addf %add3A_164, %get3A_167 : vector<1x1xf32>
      %swap3A_169 = arith.constant 0 : index
      %swap3A_170 = arith.constant 0 : index
      %swap3A_171 = vector.load %arg13[%swap3A_169, %swap3A_170] : memref<1x1xf32, #tpu.memory_space<vmem>>, vector<1x1xf32>
      tpu.vector_store %arg13[%swap3A_169, %swap3A_170], %add3A_168 {strides = array<i32>} : memref<1x1xf32, #tpu.memory_space<vmem>>, vector<1x1xf32>,
    } else {
    }
    %get3A = arith.constant 0 : index
    %get3A_2 = arith.constant 0 : index
    %get3A_3 = vector.load %arg14[%get3A, %get3A_2] : memref<1x4096xbf16, #tpu.memory_space<vmem>>, vector<1x4096xbf16>
    %get3A_4 = arith.constant 0 : index
    %get3A_5 = arith.constant 0 : index
    %get3A_6 = vector.load %arg2[%get3A_4, %get3A_5] : memref<4096x512xf32, #tpu.memory_space<vmem>>, vector<4096x512xf32>
    %convert_element_type3A_7 = arith.truncf %get3A_6 : vector<4096x512xf32> to vector<4096x512xbf16>
    %dot_general3A = arith.constant dense<0.000000e+00> : vector<1x512xf32>
    %dot_general3A_8 = tpu.matmul %get3A_3, %convert_element_type3A_7, %dot_general3A {dimension_numbers = #tpu.dot_dimension_numbers<[1], [0], [0], [1], [0, 0, 1, 1], [], []>, transpose_lhs_hint = false} : vector<1x4096xbf16>, vector<4096x512xbf16>, vector<1x512xf32> -> vector<1x512xf32>
    %get3A_9 = arith.constant 0 : index
    %get3A_10 = arith.constant 0 : index
    %get3A_11 = vector.load %arg3[%get3A_9, %get3A_10] : memref<1x512xf32, #tpu.memory_space<vmem>>, vector<1x512xf32>
    %add3A = arith.addf %dot_general3A_8, %get3A_11 : vector<1x512xf32>
    %mul3A = arith.constant 512 : i32
    %mul3A_12 = arith.muli %arg0, %mul3A : i32
    %swap3A = arith.constant 0 : index
    %swap3A_13 = arith.index_cast %mul3A_12 : i32 to index
    %swap3A_14 = vector.load %arg12[%swap3A, %swap3A_13] : memref<1x16384xf32, #tpu.memory_space<vmem>>, vector<1x512xf32>
    tpu.vector_store %arg12[%swap3A, %swap3A_13], %add3A {strides = array<i32>} : memref<1x16384xf32, #tpu.memory_space<vmem>>, vector<1x512xf32>,
    %eq3A_15 = arith.constant 31 : i32
    %eq3A_16 = arith.cmpi eq, %arg0, %eq3A_15 : i32
    %convert_element_type3A_17 = arith.extui %eq3A_16 : i1 to i32
    %cond3A_18 = arith.constant 0 : i32
    %cond3A_19 = arith.cmpi ne, %convert_element_type3A_17, %cond3A_18 : i32
    scf.if %cond3A_19 {
      %get3A_20 = arith.constant 0 : index
      %get3A_21 = arith.constant 0 : index
      %get3A_22 = vector.load %arg12[%get3A_20, %get3A_21] : memref<1x16384xf32, #tpu.memory_space<vmem>>, vector<1x16384xf32>
      %reduce_max3A = vector.shape_cast %get3A_22 : vector<1x16384xf32> to vector<1x1x16384xf32>
      %reduce_max3A_23 = arith.constant dense<0xFF800000> : vector<1xf32>
      %reduce_max3A_24 = vector.multi_reduction <maximumf>, %reduce_max3A, %reduce_max3A_23 [1, 2] : vector<1x1x16384xf32> to vector<1xf32>
      %reduce_max3A_25 = vector.shape_cast %reduce_max3A_24 : vector<1xf32> to vector<1x1x1xf32>
      %reduce_max3A_26 = vector.extract %reduce_max3A_25[0, 0, 0] : f32 from vector<1x1x1xf32>
      %sub3A = vector.broadcast %reduce_max3A_26 : f32 to vector<1x16384xf32>
      %sub3A_27 = arith.subf %get3A_22, %sub3A : vector<1x16384xf32>
      %exp3A = math.exp %sub3A_27 : vector<1x16384xf32>
      %reduce_sum3A = vector.shape_cast %exp3A : vector<1x16384xf32> to vector<1x1x16384xf32>
      %reduce_sum3A_28 = arith.constant dense<0.000000e+00> : vector<1xf32>
      %reduce_sum3A_29 = vector.multi_reduction <add>, %reduce_sum3A, %reduce_sum3A_28 [1, 2] : vector<1x1x16384xf32> to vector<1xf32>
      %reduce_sum3A_30 = vector.shape_cast %reduce_sum3A_29 : vector<1xf32> to vector<1x1x1xf32>
      %reduce_sum3A_31 = vector.extract %reduce_sum3A_30[0, 0, 0] : f32 from vector<1x1x1xf32>
      %div3A = vector.broadcast %reduce_sum3A_31 : f32 to vector<1x16384xf32>
      %div3A_32 = arith.divf %exp3A, %div3A : vector<1x16384xf32>
      %swap3A_33 = arith.constant 0 : index
      %swap3A_34 = arith.constant 0 : index
      %swap3A_35 = vector.load %arg12[%swap3A_33, %swap3A_34] : memref<1x16384xf32, #tpu.memory_space<vmem>>, vector<1x16384xf32>
      tpu.vector_store %arg12[%swap3A_33, %swap3A_34], %div3A_32 {strides = array<i32>} : memref<1x16384xf32, #tpu.memory_space<vmem>>, vector<1x16384xf32>,
    } else {
    }
    return
  }
  func.func @transform_0(%arg0: i32) -> (i32, i32) {
    %c0_i32 = arith.constant 0 : i32
    %c0_i32_0 = arith.constant 0 : i32
    %c0_i32_1 = arith.constant 0 : i32
    return %c0_i32, %c0_i32_0 : i32, i32
  }
  func.func @transform_1(%arg0: i32) -> (i32, i32) {
    %c0_i32 = arith.constant 0 : i32
    %c0_i32_0 = arith.constant 0 : i32
    return %c0_i32, %arg0 : i32, i32
  }
  func.func @transform_2(%arg0: i32) -> (i32, i32) {
    %c0_i32 = arith.constant 0 : i32
    %c0_i32_0 = arith.constant 0 : i32
    return %c0_i32, %arg0 : i32, i32
  }
  func.func @transform_3(%arg0: i32) -> (i32, i32) {
    %c0_i32 = arith.constant 0 : i32
    %c0_i32_0 = arith.constant 0 : i32
    %c0_i32_1 = arith.constant 0 : i32
    return %c0_i32, %c0_i32_0 : i32, i32
  }
  func.func @transform_4(%arg0: i32) -> (i32, i32) {
    %c0_i32 = arith.constant 0 : i32
    %c0_i32_0 = arith.constant 0 : i32
    %c0_i32_1 = arith.constant 0 : i32
    return %c0_i32, %c0_i32_0 : i32, i32
  }
  func.func @transform_5(%arg0: i32) -> (i32, i32) {
    %c0_i32 = arith.constant 0 : i32
    %c0_i32_0 = arith.constant 0 : i32
    %c0_i32_1 = arith.constant 0 : i32
    return %c0_i32, %c0_i32_0 : i32, i32
  }
  func.func @transform_6(%arg0: i32) -> (i32, i32) {
    %c0_i32 = arith.constant 0 : i32
    %c0_i32_0 = arith.constant 0 : i32
    %c0_i32_1 = arith.constant 0 : i32
    return %c0_i32, %c0_i32_0 : i32, i32
  }
  func.func @transform_7(%arg0: i32) -> (i32, i32) {
    %c0_i32 = arith.constant 0 : i32
    %c0_i32_0 = arith.constant 0 : i32
    %c0_i32_1 = arith.constant 0 : i32
    return %c0_i32, %c0_i32_0 : i32, i32
  }
  func.func @transform_8(%arg0: i32) -> (i32, i32) {
    %c0_i32 = arith.constant 0 : i32
    %c0_i32_0 = arith.constant 0 : i32
    %c0_i32_1 = arith.constant 0 : i32
    return %c0_i32, %c0_i32_0 : i32, i32
  }
  func.func @transform_9(%arg0: i32) -> (i32, i32) {
    %c0_i32 = arith.constant 0 : i32
    %c0_i32_0 = arith.constant 0 : i32
    %c0_i32_1 = arith.constant 0 : i32
    return %c0_i32, %c0_i32_0 : i32, i32
  }
  func.func @transform_10(%arg0: i32) -> (i32, i32) {
    %c0_i32 = arith.constant 0 : i32
    %c0_i32_0 = arith.constant 0 : i32
    %c0_i32_1 = arith.constant 0 : i32
    return %c0_i32, %c0_i32_0 : i32, i32
  }
  func.func @transform_11(%arg0: i32) -> (i32, i32) {
    %c0_i32 = arith.constant 0 : i32
    %c0_i32_0 = arith.constant 0 : i32
    %c0_i32_1 = arith.constant 0 : i32
    return %c0_i32, %c0_i32_0 : i32, i32
  }
  func.func @transform_12(%arg0: i32) -> (i32, i32) {
    %c0_i32 = arith.constant 0 : i32
    %c0_i32_0 = arith.constant 0 : i32
    %c0_i32_1 = arith.constant 0 : i32
    return %c0_i32, %c0_i32_0 : i32, i32
  }
}

</mosaic_0001>

<sc_bundles>
// kernel: kernel.4.cloned.1.call-start
scs
__scs_entry_jumppad:
0x0: {  	(pc) =	sbr.rel $0x88, $3  }
0x1: {  	(tag) =	ssettag $0x0;
	lr =	simm.s32 $0x1  }
0x2: {  	[smem:$0x3F91] =	sst lr;
	_ =	strace $0xD0000000  }
0x3: {  	_ = 	snop  }
0x4: {  	_ = 	snop  }
0x5: {  	_ = 	snop  }
0x6: {  	_ = 	snop  }
0x7: {  	_ = 	snop  }
__scs_overlays_trampoline_lowered:
0x8: {  	[smem:$0x3FA0] =	sst s0  }
0x9: {  	[smem:$0x3FA1] =	sst s1  }
0xa: {  	[smem:$0x3FA2] =	sst s2  }
0xb: {  	[smem:$0x3FA3] =	sst s3  }
0xc: {  	[smem:$0x3FA4] =	sst s4  }
0xd: {  	[smem:$0x3FA5] =	sst s5  }
0xe: {  	[smem:$0x3FA6] =	sst s6  }
0xf: {  	[smem:$0x3FA7] =	sst s7  }
0x10: {  	[smem:$0x3FA8] =	sst s8  }
0x11: {  	[smem:$0x3FA9] =	sst s9;
	s0 =	simm.s32 @!p0 $0x0  }
0x12: {  	s1 =	sld [smem:$0x3F8F];
	s0 =	simm.s32 @p0 $0x1  }
0x13: {  	[smem:$0x3FAA] =	sst s0;
	s0 =	simm.s32 @!p1 $0x0  }
0x14: {  	s2 =	sld [smem:$0x3F8E];
	s0 =	simm.s32 @p1 $0x1  }
0x15: {  	[smem:$0x3FAB] =	sst s0;
	s0 =	simm.s32 @!p2 $0x0  }
0x16: {  	s3 =	sld [smem:$0x3FDB];
	s0 =	simm.s32 @p2 $0x1  }
0x17: {  	s4 =	simm.s32 $0x1BF5;
	[smem:$0x3FAD] =	sst s0  }
0x18: {  	s0 =	sld [smem:$0x3F90];
	_ =	swait.ge [sflag:s4], $0x0  }
0x19: {  	s7 =	sld [smem:$0x3F91]  }
0x1a: {  	s8 =	sadd.s32 $0xFFFFE003, lr  }
0x1b: {  	s9 =	sadd.s32 $0xFFFFFEF7, lr;
	s5 =	simm.s32 $0xFFFFFFFF;
	p2 =	slt.u32 s8, $0xFFFFF086  }
0x1c: {  	p1 =	slt.u32 s9, $0xF7A;
	s5 =	simm.s32 @!p2 $0x0  }
0x1d: {  	s5 =	simm.s32 @p1 $0x1;
	p0 =	seq.s32 s7, s2  }
0x1e: {  	s7 =	smul.u32 @!p0 $0xF7A, s2;
	p2 =	seq.s32 @!p0 s5, $0x0  }
0x1f: {  	s9 =	smul.u32 $0xF7A, s1;
	s8 =	simm.s32 @!p0 $0x1BF5;
	p2 =	por !p2, p0  }
0x20: {  	[sflag:s8] =	ssyncset.s32 @!p0 $0xFFFFF086;
	s6 =	sadd.s32 @!p0 s3, s7;
	s7 =	simm.s32 @!p0 $0x108  }
0x21: {  	s3 =	sadd.s32 s3, s9;
	s6 =	sadd.s32 @!p0 $0x88, s6;
	s7 =	simm.s32 @p2 $0x1082  }
0x22: {  	[simem:s7], [sflag:s8] =	dma.local @!p0 [hbm:s6], $0xF7A  }
0x23: {  	s9 =	sor.u32 $0xD0000000, s2;
	s6 =	simm.s32 $0x108;
	_ =	swait.ge @!p0 [sflag:s8], $0x0  }
0x24: {  	s3 =	sadd.s32 $0x88, s3;
	s6 =	simm.s32 @!p1 $0x1082;
	[sflag:s4] =	ssyncset.s32 $0xFFFFF086  }
0x25: {  	[simem:s6], [sflag:s4] =	dma.local [hbm:s3], $0xF7A  }
0x26: {  	[smem:$0x3F91] =	sst s1;
	(tag) =	ssettag s2;
	_ =	strace s9  }
0x27: {  	s1 =	sld [smem:$0x3FA1]  }
0x28: {  	s2 =	sld [smem:$0x3FA2]  }
0x29: {  	s4 =	sld [smem:$0x3FA4]  }
0x2a: {  	p0 =	seq.s32 s5, $0x0;
	s5 =	sld [smem:$0x3FA5]  }
0x2b: {  	s6 =	sld [smem:$0x3FA6]  }
0x2c: {  	s7 =	sld [smem:$0x3FA7]  }
0x2d: {  	s3 =	simm.s32 $0x108;
	s8 =	sld [smem:$0x3FA8]  }
0x2e: {  	s3 =	simm.s32 @!p0 $0x1082;
	s9 =	sld [smem:$0x3FA9]  }
0x2f: {  	lr =	sadd.s32 s0, s3;
	s0 =	sld [smem:$0x3FA0]  }
0x30: {  	s3 =	sld [smem:$0x3FA3]  }
0x31: {  	[smem:$0x3FAC] =	sst s10  }
0x32: {  	s10 =	sld [smem:$0x3FAA];
	_ =	sdelay $0x3  }
0x33: {  	p0 =	seq.s32 s10, $0x1;
	s10 =	sld [smem:$0x3FAC];
	_ =	sdelay $0x3  }
0x34: {  	[smem:$0x3FAC] =	sst s10  }
0x35: {  	s10 =	sld [smem:$0x3FAB];
	_ =	sdelay $0x3  }
0x36: {  	p1 =	seq.s32 s10, $0x1;
	s10 =	sld [smem:$0x3FAC];
	_ =	sdelay $0x3  }
0x37: {  	[smem:$0x3FAC] =	sst s10  }
0x38: {  	s10 =	sld [smem:$0x3FAD]  }
0x39: {  	_ = 	snop;
	(pc) =	sbr.ind lr, $3  }
0x3a: {  	_ = 	snop  }
0x3b: {  	_ = 	snop  }
0x3c: {  	p2 =	seq.s32 s10, $0x1;
	s10 =	sld [smem:$0x3FAC]  }
0x3d: {  	_ =	shalt  }
0x3e: {  	_ =	shalt  }
0x3f: {  	_ =	shalt  }
0x40: {  	_ =	shalt  }
0x41: {  	_ =	shalt  }
0x42: {  	_ =	shalt  }
0x43: {  	_ =	shalt  }
0x44: {  	_ =	shalt  }
0x45: {  	_ =	shalt  }
0x46: {  	_ =	shalt  }
0x47: {  	_ =	shalt  }
0x48: {  	_ =	shalt  }
0x49: {  	_ =	shalt  }
0x4a: {  	_ =	shalt  }
0x4b: {  	_ =	shalt  }
0x4c: {  	_ =	shalt  }
0x4d: {  	_ =	shalt  }
0x4e: {  	_ =	shalt  }
0x4f: {  	_ =	shalt  }
0x50: {  	_ =	shalt  }
0x51: {  	_ =	shalt  }
0x52: {  	_ =	shalt  }
0x53: {  	_ =	shalt  }
0x54: {  	_ =	shalt  }
0x55: {  	_ =	shalt  }
0x56: {  	_ =	shalt  }
0x57: {  	_ =	shalt  }
0x58: {  	_ =	shalt  }
0x59: {  	_ =	shalt  }
0x5a: {  	_ =	shalt  }
0x5b: {  	_ =	shalt  }
0x5c: {  	_ =	shalt  }
0x5d: {  	_ =	shalt  }
0x5e: {  	_ =	shalt  }
0x5f: {  	_ =	shalt  }
0x60: {  	_ =	shalt  }
0x61: {  	_ =	shalt  }
0x62: {  	_ =	shalt  }
0x63: {  	_ =	shalt  }
0x64: {  	_ =	shalt  }
0x65: {  	_ =	shalt  }
0x66: {  	_ =	shalt  }
0x67: {  	_ =	shalt  }
0x68: {  	_ =	shalt  }
0x69: {  	_ =	shalt  }
0x6a: {  	_ =	shalt  }
0x6b: {  	_ =	shalt  }
0x6c: {  	_ =	shalt  }
0x6d: {  	_ =	shalt  }
0x6e: {  	_ =	shalt  }
0x6f: {  	_ =	shalt  }
0x70: {  	_ =	shalt  }
0x71: {  	_ =	shalt  }
0x72: {  	_ =	shalt  }
0x73: {  	_ =	shalt  }
0x74: {  	_ =	shalt  }
0x75: {  	_ =	shalt  }
0x76: {  	_ =	shalt  }
0x77: {  	_ =	shalt  }
0x78: {  	_ =	shalt  }
0x79: {  	_ =	shalt  }
0x7a: {  	_ =	shalt  }
0x7b: {  	_ =	shalt  }
0x7c: {  	_ =	shalt  }
0x7d: {  	_ =	shalt  }
0x7e: {  	_ =	shalt  }
0x7f: {  	_ =	shalt  }
0x80: {  	_ =	shalt  }
0x81: {  	_ =	shalt  }
0x82: {  	_ =	shalt  }
0x83: {  	_ =	shalt  }
0x84: {  	_ =	shalt  }
0x85: {  	_ =	shalt  }
0x86: {  	_ =	shalt  }
0x87: {  	_ =	shalt  }
.Lfunc_end0:
.L_simem_size_0:
called_computation_lowered:
.L_overlay_start_0:
0x88: {  	s2 =	sld [smem:$0x3FD9]  }
0x89: {  	s3 =	sld [smem:$0x3FFE];
	_ =	sdelay $0x1  }
0x8a: {  	s1 =	srdreg.scid  }
0x8b: {  	s0 =	sand.u32 $0x1, s1  }
0x8c: {  	s14 =	sshll.u32 s0, $0xA;
	s2 =	sadd.s32 s3, s2  }
0x8d: {  	s2 =	sadd.s32 s2, s14  }
0x8e: {  	[smem:$0x3FB8] =	sst s2  }
0x8f: {  	_ = 	snop  }
0x90: {  	s2 =	sld [smem:$0x3FD0];
	_ =	sdelay $0x2  }
0x91: {  	s4 =	simm.s32 $0xA;
	s5 =	simm.s32 $0x10;
	s15 =	sld [smem:$0x3FC9]  }
0x92: {  	[smem:s5], [sflag:s4] =	dma.local [hbm:s2], $0x1  }
0x93: {  	_ =	swait.eq [sflag:s4], $0x1  }
0x94: {  	[sflag:s4] =	ssyncset.done $0x0  }
0x95: {  	[sflag:s4] =	ssyncadd.s32 $0xFFFFFFFF  }
0x96: {  	s16 =	sld [smem:$0x10];
	(tm) =	ssettm $0x1  }
0x97: {  	s17 =	sld [smem:$0x3FFB];
	_ =	sdelay $0x3  }
0x98: {  	_ =	strace s17  }
0x99: {  	s4 =	sld [smem:$0x3FFC];
	_ =	sdelay $0x3  }
0x9a: {  	_ =	strace s4  }
0x9b: {  	s4 =	sld [smem:$0x3FFD];
	_ =	sdelay $0x3  }
0x9c: {  	_ =	strace s4  }
0x9d: {  	_ =	strace $0x8FFFFFFF  }
0x9e: {  	s18 =	sld [smem:$0x3FDB];
	_ =	sdelay $0x1  }
0x9f: {  	s19 =	simm.s32 $_scs_section_size  }
0xa0: {  	s6 =	simm.s32 $_size__tile_overlayer_lowered;
	s7 =	simm.s32 $_tile_overlayer_lowered  }
0xa1: {  	s22 =	simm.s32 $0x1BFF;
	s21 =	sshll.u32 s7, $0x1;
	s4 =	sadd.s32 s19, s18  }
0xa2: {  	s8 =	simm.s32 $0x0;
	s20 =	sshll.u32 s6, $0x1;
	s6 =	sadd.s32 s21, s4  }
0xa3: {  	[timem:s8], [sflag:s22] =	dma.local [hbm:s6], s20  }
0xa4: {  	_ =	swait.ge [sflag:s22], s20  }
0xa5: {  	s5 =	ssub.s32 $0x0, s20;
	[sflag:s22] =	ssyncset.done $0x0  }
0xa6: {  	[sflag:s22] =	ssyncadd.s32 s5;
	_ =	sdelay $0x1  }
0xa7: {  	s23 =	simm.s32 $0x1B8B  }
0xa8: {  	_ =	swait.ge [sflag:s23], $0x1  }
0xa9: {  	[sflag:s23] =	ssyncset.done $0x0  }
0xaa: {  	s25 =	simm.s32 $0x1B8E;
	s24 =	sld [smem:$0x3FFE];
	[sflag:s23] =	ssyncadd.s32 $0xFFFFFFFF  }
0xab: {  	s26 =	simm.s32 $execute0_lowered;
	[smem:$0x3FD2] =	sst s25  }
0xac: {  	s6 =	sshll.u32 s26, $0x1;
	_ =	strace $0x80000046;
	[dreg:$0x1] =	wrdreg $0xFFFFFFFF  }
0xad: {  	s28 =	simm.s32 $_size_execute0_lowered;
	s4 =	sadd.s32 s4, s6;
	[dreg:$0x0] =	wrdreg $0x0  }
0xae: {  	s6 =	sshll.u32 s28, $0x1;
	[dreg:$0x2] =	wrdreg s4  }
0xaf: {  	[dreg:$0x3] =	wrdreg s6  }
0xb0: {  	[dreg:$0x4] =	wrdreg $0xC0  }
0xb1: {  	_ =	task [dreg:s8], $0x5FFFF  }
0xb2: {  	[dreg:$0x1] =	wrdreg $0xFFFFFFFF  }
0xb3: {  	[dreg:$0x0] =	wrdreg $0x60  }
0xb4: {  	[dreg:$0x2] =	wrdreg s15  }
0xb5: {  	[dreg:$0x3] =	wrdreg s24  }
0xb6: {  	[dreg:$0x4] =	wrdreg s16  }
0xb7: {  	[dreg:$0x5] =	wrdreg $0x9  }
0xb8: {  	_ =	task.clear_ibuf [dreg:s8], $0x6FFFF;
	_ =	strace $0x90000046  }
0xb9: {  	s29 =	simm.s32 $0x9;
	_ =	strace $0x80000048  }
0xba: {  	_ =	swait.ge [sflag:s29], $0x1  }
0xbb: {  	[sflag:s29] =	ssyncadd.s32 $0xFFFFFFFF  }
0xbc: {  	_ =	strace $0x90000048  }
0xbd: {  	_ =	sfence  }
0xbe: {  	s30 =	sld [smem:$0x0];
	_ =	sdelay $0x2  }
0xbf: {  	s31 =	sshll.u32 s1, $0xD;
	s1 =	sshrl.u32 s1, $0x2  }
0xc0: {  	s3 =	sand.u32 $0x4000, s31;
	s1 =	sadd.s32 s1, s30  }
0xc1: {  	s0 =	sor.u32 s3, s0;
	s1 =	sshll.u32 s1, $0x11  }
0xc2: {  	s0 =	sor.u32 s1, s0  }
0xc3: {  	s0 =	sadd.s32 $0x8F2B, s0  }
0xc4: {  	[sflag:s0] =	ssyncadd.remote.s32 $0x1  }
0xc5: {  	_ =	sfence.sel $0xFFFF  }
0xc6: {  	[dreg:$0x0] =	wrdreg $0xFFFFFFFF;
	(pc) =	sbr.abs _section_cstart, $3  }
0xc7: {  	[dreg:$0x1] =	wrdreg $0xFFFFFFFF  }
0xc8: {  	_ =	task.clear_ibuf [dreg:s8], $0x2FFFF;
	_ =	strace $0x9FFFFFFF  }
0xc9: {  	(tm) =	ssettm $0x7FFFFFFF  }
tec
execute0_lowered:
.L_overlay_start_1:
0x0: {  	(tag) =	ssettag $0x1  }
0x1: {  	s1 =	rddreg [dreg:$0x0]  }
0x2: {  	s7 =	rddreg [dreg:$0x1];
	s2 =	srdreg.scid  }
0x3: {  	s0 =	stileid.u32;
	s8 =	rddreg [dreg:$0x2]  }
0x4: {  	s3 =	simm.s32 $0x0;
	s14 =	simm.s32 $0x4800;
	s15 =	simm.s32 $0x8800  }
0x5: {  	s16 =	simm.s32 $0x1;
	s17 =	simm.s32 $0x18B00;
	s18 =	simm.s32 $0x2  }
0x6: {  	s19 =	simm.s32 $0x0;
	s6 =	sand.u32 $0x1, s2;
	s2 =	rddreg [dreg:$0x3]  }
0x7: {  	s4 =	sshll.u32 s0, $0x1;
	[smem:$0x7FF] =	sst s3;
	s5 =	sadd.s32 $0x2400, s7  }
0x8: {  	s9 =	sor.u32 s6, s4;
	_ =	strace $0x80000047;
	s4 =	sadd.s32 $0x1C00, s7  }
0x9: {  	s12 =	ssub.s32 $0x2, s6;
	s6 =	sadd.s32 $0x1200, s7;
	s10 =	sshll.u32 s9, $0x6  }
0xa: {  	v2 =	vlaneseq.u32;
	s9 =	sshll.u32 s9, $0x9;
	s13 =	sshrl.u32 s12, $0x1;
	s11 =	sadd.s32 s10, s7  }
0xb: {  	v0 =	vmul.u32 $0x1000, v2;
	s9 =	sadd.s32 s9, s7;
	s12 =	ssub.s32 s12, s13;
	s8 =	sadd.s32 s8, s10  }
0xc: {  	v1 =	vimm.f32 $0.0e+00;
	v2 =	vmul.u32 $0x20, v2;
	s13 =	simm.s32 $0x800;
	s7 =	sadd.s32 $0x1400, s11;
	s9 =	sadd.s32 $0x2C00, s9  }
0xd: {  	v3 =	vor.u32 $0x1, v0;
	v4 =	vor.u32 $0x2, v0;
	v5 =	vor.u32 $0x3, v0;
	s10 =	smax.u32 s12, $0x1;
	s11 =	simm.s32 $0x400;
	s12 =	simm.s32 $0x600  }
.LBB2_1:
0xe: {  	[tilespmem:s3], [sflag:$0x1] =	stream.linear.gather [hbm4b:s1+s3], $0x400, $0x38;
	[tilespmem:$0x19B00] =	vst v63  }
0xf: {  	_ = 	snop  }
0x10: {  	[tilespmem:s11], [sflag:$0x1] =	stream.linear.gather [hbm4b:s7+s3], $0x200, $0x38;
	[tilespmem:$0x19B00] =	vst v63  }
0x11: {  	_ = 	snop  }
0x12: {  	[tilespmem:s12], [sflag:$0x1] =	stream.linear.gather [hbm4b:s8+s3], $0x200, $0x38;
	[tilespmem:$0x19B00] =	vst v63  }
0x13: {  	_ = 	snop  }
0x14: {  	[tilespmem:s13], [sflag:$0x1] =	stream.linear.gather [hbm4b:s4+s3], $0x4000, $0x38;
	[tilespmem:$0x19B00] =	vst v63  }
0x15: {  	_ = 	snop  }
0x16: {  	[tilespmem:s14], [sflag:$0x1] =	stream.linear.gather [hbm4b:s5+s3], $0x4000, $0x38;
	[tilespmem:$0x19B00] =	vst v63  }
0x17: {  	s20 =	simm.s32 $0x0;
	s21 =	simm.s32 $0x400  }
0x18: {  	[tilespmem:s15], [sflag:$0x1] =	stream.linear.gather [hbm4b:s6+s3], $0x300, $0x38;
	[tilespmem:$0x19B00] =	vst v63  }
.LBB2_2:
0x19: {  	p0 =	sne.s32 s21, $0x3FC00;
	[tilespmem:s20+$0x8BF0] =	vst v1  }
0x1a: {  	[tilespmem:s20+$0x8B00] =	vst v1  }
0x1b: {  	[tilespmem:s20+$0x8B10] =	vst v1  }
0x1c: {  	[tilespmem:s20+$0x8B20] =	vst v1  }
0x1d: {  	[tilespmem:s20+$0x8B30] =	vst v1  }
0x1e: {  	[tilespmem:s20+$0x8B40] =	vst v1  }
0x1f: {  	[tilespmem:s20+$0x8B50] =	vst v1  }
0x20: {  	[tilespmem:s20+$0x8B60] =	vst v1  }
0x21: {  	[tilespmem:s20+$0x8B70] =	vst v1  }
0x22: {  	[tilespmem:s20+$0x8B80] =	vst v1  }
0x23: {  	[tilespmem:s20+$0x8B90] =	vst v1  }
.Ltmp0:
0x24: {  	[tilespmem:s20+$0x8BA0] =	vst v1;
	(pc) =	sbr.rel @p0 .LBB2_2-.Ltmp0, $4  }
0x25: {  	[tilespmem:s20+$0x8BB0] =	vst v1  }
0x26: {  	[tilespmem:s20+$0x8BC0] =	vst v1  }
0x27: {  	[tilespmem:s20+$0x8BD0] =	vst v1  }
0x28: {  	[tilespmem:s20+$0x8BE0] =	vst v1;
	s20 =	sshra.s32 s21, $0x2;
	s21 =	sadd.s32 $0x400, s21  }
0x29: {  	[tilespmem:s20+$0x8BF0] =	vst v1  }
0x2a: {  	[tilespmem:s20+$0x8B00] =	vst v1  }
0x2b: {  	[tilespmem:s20+$0x8B10] =	vst v1  }
0x2c: {  	[tilespmem:s20+$0x8B20] =	vst v1  }
0x2d: {  	[tilespmem:s20+$0x8B30] =	vst v1  }
0x2e: {  	[tilespmem:s20+$0x8B40] =	vst v1  }
0x2f: {  	[tilespmem:s20+$0x8B50] =	vst v1  }
0x30: {  	[tilespmem:s20+$0x8B60] =	vst v1  }
0x31: {  	[tilespmem:s20+$0x8B70] =	vst v1  }
0x32: {  	[tilespmem:s20+$0x8B80] =	vst v1  }
0x33: {  	[tilespmem:s20+$0x8B90] =	vst v1  }
0x34: {  	[tilespmem:s20+$0x8BA0] =	vst v1  }
0x35: {  	[tilespmem:s20+$0x8BB0] =	vst v1  }
0x36: {  	[tilespmem:s20+$0x8BC0] =	vst v1  }
0x37: {  	[tilespmem:s20+$0x8BD0] =	vst v1  }
0x38: {  	[tilespmem:s20+$0x8BE0] =	vst v1  }
0x39: {  	_ =	swait.ge [sflag:s16], $0x400  }
0x3a: {  	[sflag:s16] =	ssyncset.done $0x0  }
0x3b: {  	[sflag:s16] =	ssyncadd.s32 $0xFFFFFC00  }
0x3c: {  	_ =	swait.ge [sflag:s16], $0x200  }
0x3d: {  	[sflag:s16] =	ssyncset.done $0x0  }
0x3e: {  	[sflag:s16] =	ssyncadd.s32 $0xFFFFFE00  }
0x3f: {  	_ =	swait.ge [sflag:s16], $0x200  }
0x40: {  	[sflag:s16] =	ssyncset.done $0x0  }
0x41: {  	[sflag:s16] =	ssyncadd.s32 $0xFFFFFE00  }
0x42: {  	_ =	swait.ge [sflag:s16], $0x4000  }
0x43: {  	[sflag:s16] =	ssyncset.done $0x0  }
0x44: {  	[sflag:s16] =	ssyncadd.s32 $0xFFFFC000  }
0x45: {  	_ =	swait.ge [sflag:s16], $0x4000  }
0x46: {  	[sflag:s16] =	ssyncset.done $0x0  }
0x47: {  	[sflag:s16] =	ssyncadd.s32 $0xFFFFC000  }
0x48: {  	_ =	swait.ge [sflag:s16], $0x300  }
0x49: {  	[sflag:s16] =	ssyncset.done $0x0  }
0x4a: {  	s20 =	simm.s32 $0x0;
	s21 =	simm.s32 $0x0;
	[sflag:s16] =	ssyncadd.s32 $0xFFFFFD00  }
.LBB2_4:
0x4b: {  	v7 =	vor.u32 s21, v2;
	_ =	sdelay $0x4  }
0x4c: {  	v6 =	vld.idx.msk [tilespmem:v7+s12+$0x0], $0xffff  }
0x4d: {  	v7 =	vld.idx.msk [tilespmem:v7+s11+$0x0], $0xffff;
	_ =	sdelay $0x6  }
0x4e: {  	v8 =	vld.idx.msk [tilespmem:v6+s20+$0x0], $0xffff  }
0x4f: {  	v7 =	vld.idx.msk [tilespmem:v7+s20+$0x0], $0xffff;
	_ =	sdelay $0x3  }
0x50: {  	v8 =	vshll.u32 v8, $0x4  }
0x51: {  	v7 =	vshll.u32 v7, $0x4  }
0x52: {  	v9 =	vor.u32 $0x1, v8  }
0x53: {  	v10 =	vor.u32 $0x1, v7  }
0x54: {  	v11 =	vor.u32 $0x2, v8  }
0x55: {  	v13 =	vor.u32 $0x2, v7;
	v12 =	vld.idx.msk [tilespmem:v8+s13+$0x0], $0xffff  }
0x56: {  	v15 =	vor.u32 $0x3, v8;
	v14 =	vld.idx.msk [tilespmem:v7+s14+$0x0], $0xffff  }
0x57: {  	v16 =	vor.u32 $0x3, v7;
	v9 =	vld.idx.msk [tilespmem:v9+s13+$0x0], $0xffff  }
0x58: {  	v17 =	vor.u32 $0x4, v8;
	v10 =	vld.idx.msk [tilespmem:v10+s14+$0x0], $0xffff  }
0x59: {  	v18 =	vor.u32 $0x4, v7;
	v11 =	vld.idx.msk [tilespmem:v11+s13+$0x0], $0xffff  }
0x5a: {  	v19 =	vor.u32 $0x5, v8;
	v13 =	vld.idx.msk [tilespmem:v13+s14+$0x0], $0xffff  }
0x5b: {  	v20 =	vor.u32 $0x5, v7;
	v15 =	vld.idx.msk [tilespmem:v15+s13+$0x0], $0xffff  }
0x5c: {  	v21 =	vor.u32 $0x6, v8;
	v16 =	vld.idx.msk [tilespmem:v16+s14+$0x0], $0xffff  }
0x5d: {  	v22 =	vor.u32 $0x6, v7;
	v17 =	vld.idx.msk [tilespmem:v17+s13+$0x0], $0xffff  }
0x5e: {  	v23 =	vor.u32 $0x7, v8;
	v18 =	vld.idx.msk [tilespmem:v18+s14+$0x0], $0xffff  }
0x5f: {  	v24 =	vor.u32 $0x7, v7;
	v19 =	vld.idx.msk [tilespmem:v19+s13+$0x0], $0xffff  }
0x60: {  	v25 =	vor.u32 $0x8, v8;
	v20 =	vld.idx.msk [tilespmem:v20+s14+$0x0], $0xffff  }
0x61: {  	v26 =	vor.u32 $0x8, v7;
	v21 =	vld.idx.msk [tilespmem:v21+s13+$0x0], $0xffff  }
0x62: {  	v22 =	vld.idx.msk [tilespmem:v22+s14+$0x0], $0xffff  }
0x63: {  	v23 =	vld.idx.msk [tilespmem:v23+s13+$0x0], $0xffff  }
0x64: {  	v24 =	vld.idx.msk [tilespmem:v24+s14+$0x0], $0xffff  }
0x65: {  	v36 =	vld.idx.msk [tilespmem:v25+s13+$0x0], $0xffff  }
0x66: {  	v37 =	vld.idx.msk [tilespmem:v26+s14+$0x0], $0xffff  }
0x67: {  	v12 =	vadd.f32 v14, v12  }
0x68: {  	v41 =	vld [tilespmem:$0x8800];
	v8 =	vor.u32 $0x9, v8;
	v9 =	vadd.f32 v10, v9;
	v40 =	vadd.f32 v13, v11  }
0x69: {  	v49 =	vld [tilespmem:$0x8840];
	v7 =	vor.u32 $0x9, v7;
	v15 =	vadd.f32 v16, v15;
	v53 =	vadd.f32 v18, v17  }
0x6a: {  	v27 =	vld [tilespmem:$0x8880];
	v19 =	vadd.f32 v20, v19;
	v21 =	vadd.f32 v22, v21  }
0x6b: {  	v51 =	vld [tilespmem:$0x88C0];
	v23 =	vadd.f32 v24, v23;
	v14 =	vadd.f32 v37, v36;
	v12 =	vmax.f32 v12, $0.0e+00  }
0x6c: {  	v28 =	vld [tilespmem:$0x8900];
	v38 =	vshrl.u32 v12, $0x10;
	v9 =	vmax.f32 v9, $0.0e+00;
	v10 =	vmax.f32 v40, $0.0e+00  }
0x6d: {  	v8 =	vld.idx.msk [tilespmem:v8+s13+$0x0], $0xffff;
	v52 =	vmax.f32 v15, $0.0e+00;
	v15 =	vmax.f32 v53, $0.0e+00;
	v59 =	vmax.f32 v19, $0.0e+00  }
0x6e: {  	v39 =	vld.idx.msk [tilespmem:v7+s14+$0x0], $0xffff;
	v21 =	vmax.f32 v21, $0.0e+00;
	v23 =	vmax.f32 v23, $0.0e+00;
	v14 =	vmax.f32 v14, $0.0e+00  }
0x6f: {  	v54 =	vld [tilespmem:$0x8940];
	v7 =	vand.u32 $0x1, v38;
	v48 =	vshrl.u32 v9, $0x10;
	v50 =	vshrl.u32 v10, $0x10  }
0x70: {  	v29 =	vld [tilespmem:$0x8980];
	v55 =	vshrl.u32 v52, $0x10;
	v56 =	vshrl.u32 v15, $0x10;
	v31 =	vshrl.u32 v59, $0x10  }
0x71: {  	v30 =	vld [tilespmem:$0x89C0];
	v33 =	vshrl.u32 v21, $0x10;
	v43 =	vshrl.u32 v23, $0x10;
	v35 =	vshrl.u32 v14, $0x10  }
0x72: {  	v57 =	vld [tilespmem:$0x8A00];
	v7 =	vadd.s32 v7, v12;
	v12 =	vand.u32 $0x1, v48;
	v18 =	vand.u32 $0x1, v55  }
0x73: {  	v58 =	vld [tilespmem:$0x8A40];
	v31 =	vand.u32 $0x1, v31;
	v61 =	vand.u32 $0x1, v33;
	v8 =	vadd.f32 v39, v8  }
0x74: {  	v60 =	vld [tilespmem:$0x8810];
	v33 =	vand.u32 $0x1, v43;
	v45 =	vand.u32 $0x1, v35;
	v7 =	vadd.s32 $0x7FFF, v7  }
0x75: {  	v32 =	vld [tilespmem:$0x8850];
	v9 =	vadd.s32 v12, v9;
	v12 =	vand.u32 $0x1, v50;
	v21 =	vadd.s32 v61, v21  }
0x76: {  	v34 =	vld [tilespmem:$0x8890];
	v23 =	vadd.s32 v33, v23;
	v14 =	vadd.s32 v45, v14;
	v7 =	vand.u32 $0xFFFF0000, v7  }
0x77: {  	v62 =	vld [tilespmem:$0x88D0];
	v9 =	vadd.s32 $0x7FFF, v9;
	v10 =	vadd.s32 v12, v10;
	v12 =	vadd.s32 v18, v52  }
0x78: {  	v63 =	vld [tilespmem:$0x8910];
	v18 =	vand.u32 $0x1, v56;
	v21 =	vadd.s32 $0x7FFF, v21;
	v8 =	vmax.f32 v8, $0.0e+00  }
0x79: {  	v42 =	vld [tilespmem:$0x8950];
	v23 =	vadd.s32 $0x7FFF, v23;
	v14 =	vadd.s32 $0x7FFF, v14;
	v9 =	vand.u32 $0xFFFF0000, v9  }
0x7a: {  	v44 =	vld [tilespmem:$0x8990];
	v10 =	vadd.s32 $0x7FFF, v10;
	v12 =	vadd.s32 $0x7FFF, v12;
	v15 =	vadd.s32 v18, v15  }
0x7b: {  	v46 =	vld [tilespmem:$0x8A10];
	v18 =	vadd.s32 v31, v59;
	v21 =	vand.u32 $0xFFFF0000, v21;
	v47 =	vshrl.u32 v8, $0x10  }
0x7c: {  	v38 =	vld [tilespmem:$0x8820];
	v23 =	vand.u32 $0xFFFF0000, v23;
	v11 =	vmul.f32 v7, v41;
	v14 =	vand.u32 $0xFFFF0000, v14  }
0x7d: {  	v36 =	vld [tilespmem:$0x89D0];
	v53 =	vmul.f32 v7, v60;
	v10 =	vand.u32 $0xFFFF0000, v10;
	v12 =	vand.u32 $0xFFFF0000, v12  }
0x7e: {  	v48 =	vld [tilespmem:$0x8860];
	v15 =	vadd.s32 $0x7FFF, v15;
	v13 =	vmul.f32 v9, v49;
	v29 =	vmul.f32 v21, v29  }
0x7f: {  	v39 =	vld [tilespmem:$0x88A0];
	v18 =	vadd.s32 $0x7FFF, v18;
	v30 =	vmul.f32 v23, v30;
	v20 =	vmul.f32 v14, v57  }
0x80: {  	v37 =	vld [tilespmem:$0x8A50];
	v33 =	vand.u32 $0x1, v47;
	v61 =	vmul.f32 v21, v44;
	v40 =	vmul.f32 v14, v46  }
0x81: {  	v55 =	vld [tilespmem:$0x89E0];
	v44 =	vmul.f32 v7, v38;
	v15 =	vand.u32 $0xFFFF0000, v15;
	v27 =	vmul.f32 v10, v27  }
0x82: {  	v50 =	vld [tilespmem:$0x8920];
	v18 =	vand.u32 $0xFFFF0000, v18;
	v16 =	vmul.f32 v12, v51;
	v56 =	vmul.f32 v10, v34  }
0x83: {  	v52 =	vld [tilespmem:$0x89A0];
	v8 =	vadd.s32 v33, v8;
	v24 =	vmul.f32 v12, v62;
	v62 =	vmul.f32 v23, v36  }
0x84: {  	v43 =	vld [tilespmem:$0x8930];
	v45 =	vmul.f32 v9, v48;
	v47 =	vmul.f32 v10, v39;
	v8 =	vadd.s32 $0x7FFF, v8  }
0x85: {  	v60 =	vld [tilespmem:$0x8870];
	v28 =	vmul.f32 v15, v28;
	v17 =	vmul.f32 v18, v54;
	v11 =	vadd.f32 v13, v11  }
0x86: {  	v41 =	vld [tilespmem:$0x88F0];
	v29 =	vadd.f32 v30, v29;
	v54 =	vmul.f32 v9, v32;
	v59 =	vmul.f32 v18, v42  }
0x87: {  	v49 =	vld [tilespmem:$0x88E0];
	v32 =	vmul.f32 v23, v55;
	v16 =	vadd.f32 v16, v27;
	v8 =	vand.u32 $0xFFFF0000, v8  }
0x88: {  	v57 =	vld [tilespmem:$0x8830];
	v24 =	vadd.f32 v24, v56;
	v27 =	vmul.f32 v15, v50;
	v30 =	vmul.f32 v21, v52  }
0x89: {  	v51 =	vld [tilespmem:$0x8960];
	v17 =	vadd.f32 v17, v28;
	v22 =	vmul.f32 v8, v58;
	v58 =	vmul.f32 v15, v63  }
0x8a: {  	v46 =	vld [tilespmem:$0x8970];
	v42 =	vmul.f32 v8, v37;
	v9 =	vmul.f32 v9, v60;
	v11 =	vadd.f32 v16, v11  }
0x8b: {  	v48 =	vld [tilespmem:$0x89B0];
	v15 =	vmul.f32 v15, v43;
	v16 =	vadd.f32 v54, v53;
	v55 =	vadd.f32 v32, v30  }
0x8c: {  	v63 =	vld [tilespmem:$0x88B0];
	v13 =	vmul.f32 v12, v49;
	v17 =	vadd.f32 v29, v17;
	v20 =	vadd.f32 v22, v20  }
0x8d: {  	v49 =	vld [tilespmem:$0x89F0];
	v7 =	vmul.f32 v7, v57;
	v22 =	vadd.f32 v59, v58;
	v19 =	vadd.f32 v42, v40  }
0x8e: {  	v50 =	vld [tilespmem:$0x8A20];
	v28 =	vmul.f32 v18, v51;
	v16 =	vadd.f32 v24, v16;
	v24 =	vadd.f32 v45, v44  }
0x8f: {  	v51 =	vld [tilespmem:$0x8A60];
	v18 =	vmul.f32 v18, v46;
	v13 =	vadd.f32 v13, v47;
	v7 =	vadd.f32 v9, v7  }
0x90: {  	v12 =	vmul.f32 v12, v41;
	v54 =	vld [tilespmem:$0x8A70];
	v11 =	vadd.f32 v17, v11;
	v17 =	vadd.f32 v62, v61  }
0x91: {  	v52 =	vld [tilespmem:$0x8A30];
	v21 =	vmul.f32 v21, v48;
	v53 =	vadd.f32 v28, v27;
	v15 =	vadd.f32 v18, v15  }
0x92: {  	v10 =	vmul.f32 v10, v63;
	v13 =	vadd.f32 v13, v24;
	v23 =	vmul.f32 v23, v49  }
0x93: {  	v17 =	vadd.f32 v17, v22;
	v61 =	vadd.f32 v55, v53  }
0x94: {  	v60 =	vld [tilespmem:$0x8A90];
	v56 =	vadd.f32 v12, v10;
	v58 =	vmul.f32 v8, v51;
	v59 =	vadd.f32 v23, v21  }
0x95: {  	v57 =	vld [tilespmem:$0x8A80];
	v8 =	vmul.f32 v8, v54;
	v16 =	vadd.f32 v17, v16;
	v17 =	vmul.f32 v14, v50  }
0x96: {  	v62 =	vld [tilespmem:$0x8AA0];
	v14 =	vmul.f32 v14, v52;
	v7 =	vadd.f32 v56, v7;
	v63 =	vadd.f32 v59, v15  }
0x97: {  	v18 =	vld [tilespmem:$0x8AB0];
	v13 =	vadd.f32 v61, v13;
	v12 =	vadd.f32 v58, v17  }
0x98: {  	v8 =	vadd.f32 v8, v14;
	v7 =	vadd.f32 v63, v7  }
0x99: {  	v23 =	vadd.f32 v20, v11;
	v24 =	vadd.f32 v19, v16  }
0x9a: {  	v12 =	vadd.f32 v12, v13;
	v7 =	vadd.f32 v8, v7  }
0x9b: {  	v25 =	vadd.f32 v23, v57;
	v26 =	vadd.f32 v24, v60  }
0x9c: {  	v27 =	vadd.f32 v12, v62;
	v7 =	vadd.f32 v7, v18;
	_ =	sdelay $0x1  }
0x9d: {  	v11 =	vmax.f32 v25, v26;
	v12 =	vmax.f32 v27, v7  }
0x9e: {  	v11 =	vmax.f32 v11, v12  }
0x9f: {  	v8 =	vsub.f32 v25, v11  }
0xa0: {  	v9 =	vsub.f32 v26, v11  }
0xa1: {  	v10 =	vsub.f32 v27, v11;
	v8 =	vmul.f32 $1.442695020e+00, v8  }
0xa2: {  	v7 =	vsub.f32 v7, v11;
	v9 =	vmul.f32 $1.442695020e+00, v9  }
0xa3: {  	v28 =	vmul.f32 $1.442695020e+00, v10;
	(erf) = vpow2.f32 v8  }
0xa4: {  	v7 =	vmul.f32 $1.442695020e+00, v7;
	(erf) = vpow2.f32 v9  }
0xa5: {  	(erf) = vpow2.f32 v28  }
0xa6: {  	(erf) = vpow2.f32 v7;
	_ =	sdelay $0x5  }
0xa7: {  	v7 =	vpop (erf)  }
0xa8: {  	v29 =	vpop (erf)  }
0xa9: {  	v30 =	vpop (erf)  }
0xaa: {  	v31 =	vpop (erf)  }
0xab: {  	v32 =	vadd.f32 v29, v7;
	v33 =	vadd.f32 v31, v30;
	_ =	sdelay $0x1  }
0xac: {  	v11 =	vadd.f32 v33, v32;
	_ =	sdelay $0x1  }
0xad: {  	(erf) = vrcp.f32 v11;
	_ =	sdelay $0x3  }
0xae: {  	v6 =	vshll.u32 v6, $0x2  }
0xaf: {  	v34 =	vadd.s32 v0, v6  }
0xb0: {  	v35 =	vand.u32 $0x7C, v6;
	v11 =	vand.u32 $0xFFFFFF80, v34  }
0xb1: {  	v11 =	vor.u32 v35, v11  }
0xb2: {  	v36 =	vadd.s32 v3, v6  }
0xb3: {  	v38 =	vadd.s32 v4, v6;
	v37 =	vpop (erf)  }
0xb4: {  	s23 =	sadd.s32 $0x1, s21;
	v6 =	vadd.s32 v5, v6;
	v7 =	vmul.f32 v37, v7  }
0xb5: {  	s22 =	simm.s32 $0x8B00;
	v39 =	vor.u32 s23, v2;
	v8 =	vmul.f32 v37, v29  }
0xb6: {  	[tilespmem:v11+s22+$0x0] =	vst.idx.add.f32.msk $0xffff, v7;
	v7 =	vmul.f32 v37, v30  }
0xb7: {  	v40 =	vmul.f32 v37, v31;
	[tilespmem:v36+s22+$0x0] =	vst.idx.add.f32.msk $0xffff, v8  }
0xb8: {  	[tilespmem:v38+s22+$0x0] =	vst.idx.add.f32.msk $0xffff, v7  }
0xb9: {  	[tilespmem:v6+s22+$0x0] =	vst.idx.add.f32.msk $0xffff, v40  }
0xba: {  	v6 =	vld.idx.msk [tilespmem:v39+s12+$0x0], $0xffff  }
0xbb: {  	v7 =	vld.idx.msk [tilespmem:v39+s11+$0x0], $0xffff;
	_ =	sdelay $0x6  }
0xbc: {  	v8 =	vld.idx.msk [tilespmem:v6+s20+$0x0], $0xffff  }
0xbd: {  	v7 =	vld.idx.msk [tilespmem:v7+s20+$0x0], $0xffff;
	_ =	sdelay $0x3  }
0xbe: {  	v8 =	vshll.u32 v8, $0x4  }
0xbf: {  	v7 =	vshll.u32 v7, $0x4  }
0xc0: {  	v41 =	vor.u32 $0x1, v8  }
0xc1: {  	v42 =	vor.u32 $0x1, v7  }
0xc2: {  	v43 =	vor.u32 $0x2, v8  }
0xc3: {  	v44 =	vor.u32 $0x2, v7;
	v12 =	vld.idx.msk [tilespmem:v8+s13+$0x0], $0xffff  }
0xc4: {  	v45 =	vor.u32 $0x3, v8;
	v14 =	vld.idx.msk [tilespmem:v7+s14+$0x0], $0xffff  }
0xc5: {  	v46 =	vor.u32 $0x3, v7;
	v9 =	vld.idx.msk [tilespmem:v41+s13+$0x0], $0xffff  }
0xc6: {  	v47 =	vor.u32 $0x4, v8;
	v10 =	vld.idx.msk [tilespmem:v42+s14+$0x0], $0xffff  }
0xc7: {  	v48 =	vor.u32 $0x4, v7;
	v11 =	vld.idx.msk [tilespmem:v43+s13+$0x0], $0xffff  }
0xc8: {  	v49 =	vor.u32 $0x5, v8;
	v13 =	vld.idx.msk [tilespmem:v44+s14+$0x0], $0xffff  }
0xc9: {  	v50 =	vor.u32 $0x5, v7;
	v15 =	vld.idx.msk [tilespmem:v45+s13+$0x0], $0xffff  }
0xca: {  	v51 =	vor.u32 $0x6, v8;
	v16 =	vld.idx.msk [tilespmem:v46+s14+$0x0], $0xffff  }
0xcb: {  	v52 =	vor.u32 $0x6, v7;
	v17 =	vld.idx.msk [tilespmem:v47+s13+$0x0], $0xffff  }
0xcc: {  	v53 =	vor.u32 $0x7, v8;
	v18 =	vld.idx.msk [tilespmem:v48+s14+$0x0], $0xffff  }
0xcd: {  	v54 =	vor.u32 $0x7, v7;
	v19 =	vld.idx.msk [tilespmem:v49+s13+$0x0], $0xffff  }
0xce: {  	v55 =	vor.u32 $0x8, v8;
	v20 =	vld.idx.msk [tilespmem:v50+s14+$0x0], $0xffff  }
0xcf: {  	v56 =	vor.u32 $0x8, v7;
	v21 =	vld.idx.msk [tilespmem:v51+s13+$0x0], $0xffff  }
0xd0: {  	v22 =	vld.idx.msk [tilespmem:v52+s14+$0x0], $0xffff  }
0xd1: {  	v23 =	vld.idx.msk [tilespmem:v53+s13+$0x0], $0xffff  }
0xd2: {  	v57 =	vld.idx.msk [tilespmem:v54+s14+$0x0], $0xffff  }
0xd3: {  	v58 =	vld.idx.msk [tilespmem:v55+s13+$0x0], $0xffff  }
0xd4: {  	v59 =	vld.idx.msk [tilespmem:v56+s14+$0x0], $0xffff  }
0xd5: {  	v63 =	vld [tilespmem:$0x8840];
	v8 =	vor.u32 $0x9, v8;
	v12 =	vadd.f32 v14, v12  }
0xd6: {  	v40 =	vld [tilespmem:$0x88C0];
	v7 =	vor.u32 $0x9, v7;
	v9 =	vadd.f32 v10, v9;
	v11 =	vadd.f32 v13, v11  }
0xd7: {  	v28 =	vld [tilespmem:$0x8900];
	v15 =	vadd.f32 v16, v15;
	v17 =	vadd.f32 v18, v17  }
0xd8: {  	v29 =	vld [tilespmem:$0x8980];
	v43 =	vadd.f32 v20, v19;
	v21 =	vadd.f32 v22, v21  }
0xd9: {  	v30 =	vld [tilespmem:$0x8A00];
	v14 =	vadd.f32 v57, v23;
	v53 =	vadd.f32 v59, v58;
	v12 =	vmax.f32 v12, $0.0e+00  }
0xda: {  	v8 =	vld.idx.msk [tilespmem:v8+s13+$0x0], $0xffff;
	v60 =	vshrl.u32 v12, $0x10;
	v9 =	vmax.f32 v9, $0.0e+00;
	v11 =	vmax.f32 v11, $0.0e+00  }
0xdb: {  	v7 =	vld.idx.msk [tilespmem:v7+s14+$0x0], $0xffff;
	v15 =	vmax.f32 v15, $0.0e+00;
	v42 =	vmax.f32 v17, $0.0e+00;
	v17 =	vmax.f32 v43, $0.0e+00  }
0xdc: {  	v34 =	vld [tilespmem:$0x89F0];
	v21 =	vmax.f32 v21, $0.0e+00;
	v14 =	vmax.f32 v14, $0.0e+00;
	v61 =	vand.u32 $0x1, v60  }
0xdd: {  	v44 =	vld [tilespmem:$0x89C0];
	v62 =	vshrl.u32 v9, $0x10;
	v39 =	vshrl.u32 v11, $0x10;
	v41 =	vshrl.u32 v15, $0x10  }
0xde: {  	v46 =	vld [tilespmem:$0x8A40];
	v45 =	vshrl.u32 v42, $0x10;
	v47 =	vshrl.u32 v17, $0x10;
	v50 =	vshrl.u32 v21, $0x10  }
0xdf: {  	v48 =	vld [tilespmem:$0x8810];
	v55 =	vshrl.u32 v14, $0x10;
	v10 =	vadd.s32 v61, v12;
	v13 =	vand.u32 $0x1, v62  }
0xe0: {  	v49 =	vld [tilespmem:$0x8850];
	v20 =	vand.u32 $0x1, v45;
	v25 =	vand.u32 $0x1, v55;
	v7 =	vadd.f32 v7, v8  }
0xe1: {  	v51 =	vld [tilespmem:$0x8890];
	v10 =	vadd.s32 $0x7FFF, v10;
	v9 =	vadd.s32 v13, v9;
	v13 =	vand.u32 $0x1, v39  }
0xe2: {  	v52 =	vld [tilespmem:$0x88D0];
	v14 =	vadd.s32 v25, v14;
	v10 =	vand.u32 $0xFFFF0000, v10;
	v9 =	vadd.s32 $0x7FFF, v9  }
0xe3: {  	v54 =	vld [tilespmem:$0x8910];
	v11 =	vadd.s32 v13, v11;
	v13 =	vand.u32 $0x1, v41;
	v14 =	vadd.s32 $0x7FFF, v14  }
0xe4: {  	v59 =	vld [tilespmem:$0x89D0];
	v7 =	vmax.f32 v7, $0.0e+00;
	v9 =	vand.u32 $0xFFFF0000, v9;
	v11 =	vadd.s32 $0x7FFF, v11  }
0xe5: {  	v56 =	vld [tilespmem:$0x8950];
	v13 =	vadd.s32 v13, v15;
	v15 =	vadd.s32 v20, v42;
	v20 =	vand.u32 $0x1, v47  }
0xe6: {  	v12 =	vld [tilespmem:$0x8800];
	v14 =	vand.u32 $0xFFFF0000, v14;
	v61 =	vshrl.u32 v7, $0x10;
	v47 =	vmul.f32 v10, v48  }
0xe7: {  	v16 =	vld [tilespmem:$0x8880];
	v11 =	vand.u32 $0xFFFF0000, v11;
	v13 =	vadd.s32 $0x7FFF, v13;
	v15 =	vadd.s32 $0x7FFF, v15  }
0xe8: {  	v18 =	vld [tilespmem:$0x8940];
	v17 =	vadd.s32 v20, v17;
	v26 =	vmul.f32 v9, v63;
	v19 =	vmul.f32 v14, v44  }
0xe9: {  	v57 =	vld [tilespmem:$0x8990];
	v20 =	vand.u32 $0x1, v50;
	v48 =	vmul.f32 v9, v49;
	v35 =	vmul.f32 v14, v59  }
0xea: {  	v43 =	vld [tilespmem:$0x88E0];
	v13 =	vand.u32 $0xFFFF0000, v13;
	v15 =	vand.u32 $0xFFFF0000, v15;
	v17 =	vadd.s32 $0x7FFF, v17  }
0xeb: {  	v60 =	vld [tilespmem:$0x8A10];
	v20 =	vadd.s32 v20, v21;
	v21 =	vmax.f32 v53, $0.0e+00;
	v12 =	vmul.f32 v10, v12  }
0xec: {  	v55 =	vld [tilespmem:$0x88B0];
	v16 =	vmul.f32 v11, v16;
	v23 =	vmul.f32 v11, v51;
	v17 =	vand.u32 $0xFFFF0000, v17  }
0xed: {  	v42 =	vld [tilespmem:$0x88A0];
	v20 =	vadd.s32 $0x7FFF, v20;
	v40 =	vmul.f32 v13, v40;
	v28 =	vmul.f32 v15, v28  }
0xee: {  	v44 =	vld [tilespmem:$0x8920];
	v58 =	vshrl.u32 v21, $0x10;
	v50 =	vmul.f32 v13, v52;
	v52 =	vmul.f32 v15, v54  }
0xef: {  	v49 =	vld [tilespmem:$0x89E0];
	v20 =	vand.u32 $0xFFFF0000, v20;
	v25 =	vand.u32 $0x1, v58;
	v18 =	vmul.f32 v17, v18  }
0xf0: {  	v59 =	vld [tilespmem:$0x8930];
	v12 =	vadd.f32 v26, v12;
	v53 =	vmul.f32 v17, v56;
	v21 =	vadd.s32 v25, v21  }
0xf1: {  	v62 =	vld [tilespmem:$0x8A50];
	v25 =	vand.u32 $0x1, v61;
	v29 =	vmul.f32 v20, v29;
	v16 =	vadd.f32 v40, v16  }
0xf2: {  	v45 =	vld [tilespmem:$0x8960];
	v8 =	vmul.f32 v20, v57;
	v23 =	vadd.f32 v50, v23;
	v26 =	vmul.f32 v11, v42  }
0xf3: {  	v63 =	vld [tilespmem:$0x8820];
	v11 =	vmul.f32 v11, v55;
	v7 =	vadd.s32 v25, v7;
	v21 =	vadd.s32 $0x7FFF, v21  }
0xf4: {  	v51 =	vld [tilespmem:$0x8830];
	v18 =	vadd.f32 v18, v28;
	v25 =	vmul.f32 v13, v43;
	v28 =	vmul.f32 v15, v44  }
0xf5: {  	v41 =	vld [tilespmem:$0x8860];
	v38 =	vmul.f32 v14, v49;
	v15 =	vmul.f32 v15, v59;
	v7 =	vadd.s32 $0x7FFF, v7  }
0xf6: {  	v54 =	vld [tilespmem:$0x8870];
	v21 =	vand.u32 $0xFFFF0000, v21;
	v19 =	vadd.f32 v19, v29;
	v12 =	vadd.f32 v16, v12  }
0xf7: {  	v56 =	vld [tilespmem:$0x88F0];
	v8 =	vadd.f32 v35, v8;
	v29 =	vmul.f32 v17, v45;
	v30 =	vmul.f32 v21, v30  }
0xf8: {  	v61 =	vld [tilespmem:$0x8970];
	v7 =	vand.u32 $0xFFFF0000, v7;
	v57 =	vmul.f32 v21, v60;
	v60 =	vmul.f32 v10, v63  }
0xf9: {  	v39 =	vld [tilespmem:$0x8A30];
	v10 =	vmul.f32 v10, v51;
	v25 =	vadd.f32 v25, v26;
	v22 =	vmul.f32 v7, v46  }
0xfa: {  	v63 =	vld [tilespmem:$0x89B0];
	v18 =	vadd.f32 v19, v18;
	v19 =	vadd.f32 v48, v47;
	v58 =	vmul.f32 v7, v62  }
0xfb: {  	v46 =	vld [tilespmem:$0x89A0];
	v62 =	vmul.f32 v9, v41;
	v9 =	vmul.f32 v9, v54;
	v28 =	vadd.f32 v29, v28  }
0xfc: {  	v37 =	vld [tilespmem:$0x8A60];
	v13 =	vmul.f32 v13, v56;
	v22 =	vadd.f32 v22, v30;
	v12 =	vadd.f32 v18, v12  }
0xfd: {  	v40 =	vld [tilespmem:$0x8A70];
	v17 =	vmul.f32 v17, v61;
	v18 =	vadd.f32 v53, v52;
	v19 =	vadd.f32 v23, v19  }
0xfe: {  	v36 =	vld [tilespmem:$0x8A20];
	v14 =	vmul.f32 v14, v34;
	v30 =	vadd.f32 v58, v57;
	v9 =	vadd.f32 v9, v10  }
0xff: {  	v45 =	vmul.f32 v21, v39;
	v41 =	vadd.f32 v13, v11;
	v15 =	vadd.f32 v17, v15  }
0x100: {  	v8 =	vadd.f32 v8, v18;
	v16 =	vmul.f32 v20, v46;
	v20 =	vmul.f32 v20, v63  }
0x101: {  	v43 =	vmul.f32 v7, v37;
	v18 =	vadd.f32 v62, v60;
	v9 =	vadd.f32 v41, v9  }
0x102: {  	v42 =	vld [tilespmem:$0x8A80];
	v7 =	vmul.f32 v7, v40;
	v16 =	vadd.f32 v38, v16;
	v14 =	vadd.f32 v14, v20  }
0x103: {  	v44 =	vld [tilespmem:$0x8A90];
	v8 =	vadd.f32 v8, v19;
	v19 =	vmul.f32 v21, v36;
	v18 =	vadd.f32 v25, v18  }
0x104: {  	v49 =	vld [tilespmem:$0x8AB0];
	v16 =	vadd.f32 v16, v28;
	v47 =	vadd.f32 v14, v15  }
0x105: {  	v7 =	vadd.f32 v7, v45;
	v46 =	vld [tilespmem:$0x8AA0];
	v13 =	vadd.f32 v43, v19  }
0x106: {  	v48 =	vadd.f32 v16, v18;
	v9 =	vadd.f32 v47, v9  }
0x107: {  	v50 =	vadd.f32 v22, v12;
	v8 =	vadd.f32 v30, v8  }
0x108: {  	v51 =	vadd.f32 v13, v48;
	v7 =	vadd.f32 v7, v9  }
0x109: {  	v52 =	vadd.f32 v50, v42;
	v8 =	vadd.f32 v8, v44  }
0x10a: {  	v53 =	vadd.f32 v51, v46;
	v7 =	vadd.f32 v7, v49;
	_ =	sdelay $0x1  }
0x10b: {  	v11 =	vmax.f32 v52, v8;
	v12 =	vmax.f32 v53, v7  }
0x10c: {  	v11 =	vmax.f32 v11, v12  }
0x10d: {  	v9 =	vsub.f32 v52, v11  }
0x10e: {  	v8 =	vsub.f32 v8, v11  }
0x10f: {  	v10 =	vsub.f32 v53, v11;
	v9 =	vmul.f32 $1.442695020e+00, v9  }
0x110: {  	v7 =	vsub.f32 v7, v11;
	v8 =	vmul.f32 $1.442695020e+00, v8  }
0x111: {  	v54 =	vmul.f32 $1.442695020e+00, v10;
	(erf) = vpow2.f32 v9  }
0x112: {  	v7 =	vmul.f32 $1.442695020e+00, v7;
	(erf) = vpow2.f32 v8  }
0x113: {  	(erf) = vpow2.f32 v54  }
0x114: {  	(erf) = vpow2.f32 v7;
	_ =	sdelay $0x5  }
0x115: {  	v7 =	vpop (erf)  }
0x116: {  	v8 =	vpop (erf)  }
0x117: {  	v9 =	vpop (erf)  }
0x118: {  	v55 =	vpop (erf)  }
0x119: {  	v56 =	vadd.f32 v8, v7;
	v57 =	vadd.f32 v55, v9;
	_ =	sdelay $0x1  }
0x11a: {  	v11 =	vadd.f32 v57, v56;
	_ =	sdelay $0x1  }
0x11b: {  	(erf) = vrcp.f32 v11;
	_ =	sdelay $0x3  }
0x11c: {  	v6 =	vshll.u32 v6, $0x2  }
0x11d: {  	v58 =	vadd.s32 v0, v6  }
0x11e: {  	v59 =	vand.u32 $0x7C, v6;
	v11 =	vand.u32 $0xFFFFFF80, v58  }
0x11f: {  	v11 =	vor.u32 v59, v11  }
0x120: {  	v60 =	vadd.s32 v3, v6  }
0x121: {  	v62 =	vadd.s32 v4, v6;
	v61 =	vpop (erf)  }
0x122: {  	p0 =	sne.s32 s21, $0x1E;
	v6 =	vadd.s32 v5, v6;
	v7 =	vmul.f32 v61, v7  }
.Ltmp1:
0x123: {  	v8 =	vmul.f32 v61, v8;
	(pc) =	sbr.rel @p0 .LBB2_4-.Ltmp1, $4  }
0x124: {  	[tilespmem:v11+s22+$0x0] =	vst.idx.add.f32.msk $0xffff, v7;
	v7 =	vmul.f32 v61, v9  }
0x125: {  	v63 =	vmul.f32 v61, v55;
	[tilespmem:v60+s22+$0x0] =	vst.idx.add.f32.msk $0xffff, v8  }
0x126: {  	[tilespmem:v62+s22+$0x0] =	vst.idx.add.f32.msk $0xffff, v7  }
0x127: {  	s21 =	sadd.s32 $0x2, s21;
	[tilespmem:v6+s22+$0x0] =	vst.idx.add.f32.msk $0xffff, v63  }
0x128: {  	s20 =	sand.u32 $0xFF0, s20;
	v7 =	vld [tilespmem:s22+$0x0]  }
0x129: {  	v6 =	vld [tilespmem:s20+$0x9B00];
	_ =	sdelay $0x1  }
0x12a: {  	v8 =	vld [tilespmem:s20+$0xAB00];
	_ =	sdelay $0x1  }
0x12b: {  	v9 =	vld [tilespmem:s20+$0xBB00]  }
0x12c: {  	v6 =	vadd.f32 v6, v7  }
0x12d: {  	v7 =	vld [tilespmem:s20+$0xCB00]  }
0x12e: {  	v6 =	vadd.f32 v8, v6  }
0x12f: {  	v8 =	vld [tilespmem:s20+$0xDB00]  }
0x130: {  	v6 =	vadd.f32 v9, v6  }
0x131: {  	v60 =	vld [tilespmem:s20+$0xEB00]  }
0x132: {  	v6 =	vadd.f32 v7, v6  }
0x133: {  	v7 =	vld [tilespmem:s20+$0xFB00]  }
0x134: {  	v6 =	vadd.f32 v8, v6  }
0x135: {  	v8 =	vld [tilespmem:s20+$0x10B00]  }
0x136: {  	v6 =	vadd.f32 v60, v6  }
0x137: {  	v61 =	vld [tilespmem:s20+$0x11B00]  }
0x138: {  	v6 =	vadd.f32 v7, v6  }
0x139: {  	v7 =	vld [tilespmem:s20+$0x12B00]  }
0x13a: {  	v6 =	vadd.f32 v8, v6  }
0x13b: {  	v8 =	vld [tilespmem:s20+$0x13B00]  }
0x13c: {  	v6 =	vadd.f32 v61, v6  }
0x13d: {  	v62 =	vld [tilespmem:s20+$0x14B00]  }
0x13e: {  	v6 =	vadd.f32 v7, v6  }
0x13f: {  	v7 =	vld [tilespmem:s20+$0x15B00]  }
0x140: {  	v6 =	vadd.f32 v8, v6  }
0x141: {  	v8 =	vld [tilespmem:s20+$0x16B00]  }
0x142: {  	v6 =	vadd.f32 v62, v6  }
0x143: {  	v63 =	vld [tilespmem:s20+$0x17B00]  }
0x144: {  	v6 =	vadd.f32 v7, v6;
	_ =	sdelay $0x1  }
0x145: {  	v6 =	vadd.f32 v8, v6;
	_ =	sdelay $0x1  }
0x146: {  	v6 =	vadd.f32 v63, v6  }
0x147: {  	s21 =	simm.s32 $0x10;
	s20 =	simm.s32 $0x18B00  }
0x148: {  	s21 =	sand.u32 $0xFF0, s21;
	[tilespmem:s20+$0x0] =	vst v6  }
0x149: {  	s23 =	simm.s32 $0x20;
	s22 =	simm.s32 $0x8B10;
	v6 =	vld [tilespmem:s21+$0x9B00]  }
.LBB2_6:
0x14a: {  	p0 =	sne.s32 s23, $0xFF0;
	v7 =	vld [tilespmem:s22+$0x0];
	_ =	sdelay $0x1  }
0x14b: {  	v8 =	vld [tilespmem:s21+$0xAB00];
	_ =	sdelay $0x1  }
0x14c: {  	v9 =	vld [tilespmem:s21+$0xBB00]  }
0x14d: {  	v6 =	vadd.f32 v6, v7  }
0x14e: {  	v7 =	vld [tilespmem:s21+$0xCB00]  }
0x14f: {  	v6 =	vadd.f32 v8, v6  }
0x150: {  	v8 =	vld [tilespmem:s21+$0xDB00]  }
0x151: {  	v6 =	vadd.f32 v9, v6  }
0x152: {  	v9 =	vld [tilespmem:s21+$0xEB00]  }
0x153: {  	v6 =	vadd.f32 v7, v6  }
0x154: {  	v7 =	vld [tilespmem:s21+$0xFB00]  }
0x155: {  	v6 =	vadd.f32 v8, v6  }
0x156: {  	v8 =	vld [tilespmem:s21+$0x10B00]  }
0x157: {  	v6 =	vadd.f32 v9, v6  }
0x158: {  	v9 =	vld [tilespmem:s21+$0x11B00]  }
0x159: {  	v6 =	vadd.f32 v7, v6  }
0x15a: {  	v7 =	vld [tilespmem:s21+$0x12B00]  }
0x15b: {  	v6 =	vadd.f32 v8, v6  }
0x15c: {  	v8 =	vld [tilespmem:s21+$0x13B00]  }
0x15d: {  	v6 =	vadd.f32 v9, v6  }
0x15e: {  	v9 =	vld [tilespmem:s21+$0x14B00]  }
0x15f: {  	v6 =	vadd.f32 v7, v6  }
0x160: {  	v7 =	vld [tilespmem:s21+$0x15B00]  }
0x161: {  	v6 =	vadd.f32 v8, v6  }
0x162: {  	v8 =	vld [tilespmem:s21+$0x16B00]  }
0x163: {  	v6 =	vadd.f32 v9, v6  }
0x164: {  	v9 =	vld [tilespmem:s21+$0x17B00]  }
0x165: {  	v6 =	vadd.f32 v7, v6;
	_ =	sdelay $0x1  }
0x166: {  	v6 =	vadd.f32 v8, v6  }
.Ltmp2:
0x167: {  	(pc) =	sbr.rel @p0 .LBB2_6-.Ltmp2, $4  }
0x168: {  	v6 =	vadd.f32 v9, v6  }
0x169: {  	s20 =	sadd.s32 $0x10, s20  }
0x16a: {  	s21 =	sand.u32 $0xFF0, s23;
	[tilespmem:s20+$0x0] =	vst v6  }
0x16b: {  	s22 =	sadd.s32 $0x10, s22;
	s23 =	sadd.s32 $0x10, s23;
	v6 =	vld [tilespmem:s21+$0x9B00]  }
0x16c: {  	v7 =	vld [tilespmem:s22+$0x0];
	_ =	sdelay $0x1  }
0x16d: {  	v8 =	vld [tilespmem:s21+$0xAB00];
	_ =	sdelay $0x1  }
0x16e: {  	v9 =	vld [tilespmem:s21+$0xBB00]  }
0x16f: {  	v6 =	vadd.f32 v6, v7  }
0x170: {  	v7 =	vld [tilespmem:s21+$0xCB00]  }
0x171: {  	v6 =	vadd.f32 v8, v6  }
0x172: {  	v56 =	vld [tilespmem:s21+$0xDB00]  }
0x173: {  	v6 =	vadd.f32 v9, v6  }
0x174: {  	v57 =	vld [tilespmem:s21+$0xEB00]  }
0x175: {  	v6 =	vadd.f32 v7, v6  }
0x176: {  	v7 =	vld [tilespmem:s21+$0xFB00]  }
0x177: {  	v6 =	vadd.f32 v56, v6  }
0x178: {  	v58 =	vld [tilespmem:s21+$0x10B00]  }
0x179: {  	v6 =	vadd.f32 v57, v6  }
0x17a: {  	v59 =	vld [tilespmem:s21+$0x11B00]  }
0x17b: {  	v6 =	vadd.f32 v7, v6  }
0x17c: {  	v7 =	vld [tilespmem:s21+$0x12B00]  }
0x17d: {  	v6 =	vadd.f32 v58, v6  }
0x17e: {  	v60 =	vld [tilespmem:s21+$0x13B00]  }
0x17f: {  	v6 =	vadd.f32 v59, v6  }
0x180: {  	v61 =	vld [tilespmem:s21+$0x14B00]  }
0x181: {  	v6 =	vadd.f32 v7, v6  }
0x182: {  	v7 =	vld [tilespmem:s21+$0x15B00]  }
0x183: {  	v6 =	vadd.f32 v60, v6  }
0x184: {  	v62 =	vld [tilespmem:s21+$0x16B00]  }
0x185: {  	v6 =	vadd.f32 v61, v6  }
0x186: {  	v63 =	vld [tilespmem:s21+$0x17B00]  }
0x187: {  	v6 =	vadd.f32 v7, v6;
	_ =	sdelay $0x1  }
0x188: {  	v6 =	vadd.f32 v62, v6;
	_ =	sdelay $0x1  }
0x189: {  	s19 =	sadd.s32 $0x1, s19;
	v6 =	vadd.f32 v63, v6  }
0x18a: {  	s20 =	sadd.s32 $0x10, s20;
	p0 =	sne.s32 s19, s10  }
.Ltmp3:
0x18b: {  	[tilespmem:s20+$0x0] =	vst v6;
	(pc) =	sbr.rel @p0 .LBB2_1-.Ltmp3, $4  }
0x18c: {  	[hbm4b:s9+s3] =	stream.linear.scatter [tilespmem:s17], [sflag:$0x2], $0x1000, $0x38;
	[tilespmem:$0x19B00] =	vst v63  }
0x18d: {  	_ =	swait.ge [sflag:s18], $0x1000  }
0x18e: {  	[sflag:s18] =	ssyncset.done $0x0  }
0x18f: {  	[sflag:s18] =	ssyncadd.s32 $0xFFFFF000  }
0x190: {  	_ =	sfence.sel $0x180000  }
0x191: {  	[bflag:$0x0] =	sbarrier.arrive $0xFFFF  }
0x192: {  	p0 =	sne.s32 s0, $0x0;
	_ =	strace $0x90000047  }
0x193: {  	s0 =	sadd.s32 @!p0 $0x100000, s2;
	[bflag:$0x2] =	sbarrier.arrive $0xFFFF  }
0x194: {  	[sflag:s0] =	ssyncadd.tile.s32 @!p0 $0x1;
	_ =	shalt  }
.Lfunc_end2:
_tile_overlayer_lowered:
.L_overlay_start_2:
0x195: {  	(tag) =	ssettag $0x2  }
0x196: {  	s0 =	rddreg [dreg:$0x0];
	s2 =	stileid.u32  }
0x197: {  	s1 =	rddreg [dreg:$0x1];
	p0 =	sne.s32 s2, $0x0  }
0x198: {  	s3 =	rddreg [dreg:$0x2];
	[bflag:$0x3] =	sbarrier.arrive $0xFFFF;
	s2 =	simm.s32 @!p0 $0x1C02  }
0x199: {  	[timem:s3], [sflag:s2] =	dma.local @!p0 [hbm:s0], s1  }
0x19a: {  	s0 =	simm.s32 @!p0 $0x2  }
0x19b: {  	_ =	swait.ge @!p0 [sflag:s0], s1  }
0x19c: {  	s1 =	ssub.s32 @!p0 $0x0, s1;
	[sflag:s0] =	ssyncset.done @!p0 $0x0  }
0x19d: {  	[sflag:s0] =	ssyncadd.s32 @!p0 s1  }
0x19e: {  	[bflag:$0x3] =	sbarrier.arrive $0xFFFF  }
0x19f: {  	_ =	shalt  }

</sc_bundles>
